<compile_context>
chip_gen: v7x
topology: tpu7x:2x2x1
jax: 0.10.2.dev20260603
libtpu: 0.0.44.dev20260713+nightly
codegen_flags: <defaults>
</compile_context>

<pallas_src>
import functools

import jax
import jax.numpy as jnp
from jax import lax
from jax.experimental import pallas as pl
from jax.experimental.pallas import tpu as pltpu
from jax.experimental.pallas import tpu_sc as plsc

EMB = 16
NC = 2
NS = 16
NW = NC * NS


def _edge_encode(n_edges):
    per_w = n_edges // NW
    chunk = 2000
    while per_w % chunk:
        chunk -= 16
    n_chunks = per_w // chunk

    mesh = plsc.VectorSubcoreMesh(core_axis_name="c", subcore_axis_name="s")

    @functools.partial(
        pl.kernel,
        mesh=mesh,
        out_type=jax.ShapeDtypeStruct((n_edges * EMB,), jnp.float32),
        compiler_params=pltpu.CompilerParams(needs_layout_passes=False),
        scratch_types=[
            pltpu.VMEM((chunk * 2,), jnp.int32),
            pltpu.VMEM((chunk * EMB,), jnp.float32),
            pltpu.VMEM((2 * EMB,), jnp.float32),
            pltpu.VMEM((2 * EMB,), jnp.float32),
            pltpu.VMEM((4 * EMB,), jnp.float32),
        ],
    )
    def run(attr_hbm, wt_hbm, wd_hbm, out_hbm, attr_v, rows_v, wt_v, wd_v, lut_v):
        wid = lax.axis_index("s") * NC + lax.axis_index("c")
        iota = lax.iota(jnp.int32, 16)

        pltpu.sync_copy(wt_hbm, wt_v)
        pltpu.sync_copy(wd_hbm, wd_v)
        wt0 = wt_v[pl.ds(0, 16)]
        wt1 = wt_v[pl.ds(16, 16)]
        wd0 = wd_v[pl.ds(0, 16)]
        wd1 = wd_v[pl.ds(16, 16)]
        lut_v[pl.ds(0, 16)] = wt0 + wd0
        lut_v[pl.ds(16, 16)] = wt0 + wd1
        lut_v[pl.ds(32, 16)] = wt1 + wd0
        lut_v[pl.ds(48, 16)] = wt1 + wd1

        def chunk_body(ci, carry):
            base = wid * per_w + ci * chunk
            pltpu.sync_copy(attr_hbm.at[pl.ds(base * 2, chunk * 2)], attr_v)

            def group_body(g, c2):
                pairs = g * 32 + iota * 2
                a0 = plsc.load_gather(attr_v, [pairs])
                a1 = plsc.load_gather(attr_v, [pairs + 1])
                cb = (a0 * 2 + a1) * 16
                pos = g * 256 + iota * 16
                vals = []
                for d in range(16):
                    pm = jnp.bitwise_and(iota + d, 15)
                    vals.append(plsc.load_gather(lut_v, [cb + pm]))
                for d in range(16):
                    pm = jnp.bitwise_and(iota + d, 15)
                    plsc.store_scatter(rows_v, [pos + pm], vals[d])
                return c2

            lax.fori_loop(0, chunk // 16, group_body, 0)
            pltpu.sync_copy(rows_v, out_hbm.at[pl.ds(base * EMB, chunk * EMB)])
            return carry

        lax.fori_loop(0, n_chunks, chunk_body, 0)

    return run


def kernel(edge_attr, W_type, W_dir):
    n_edges = edge_attr.shape[0]
    run = _edge_encode(n_edges)
    out = run(
        edge_attr.astype(jnp.int32).reshape(n_edges * 2),
        W_type.reshape(2 * EMB),
        W_dir.reshape(2 * EMB),
    )
    return out.reshape(n_edges, EMB)

# --- scband reference (transcript-rebuilt; emitter-appended) ---
"""Pipeline reference for scband-astedge-encoder-31318901523131 (READ-ONLY COPY).

The authoritative reference and input builder live on the scoring server;
editing this copy changes nothing except your own understanding.
"""

import jax, jax.numpy as jnp
import numpy as np

EMB_DIM = 16
N_EDGES = 3200000

def setup_inputs(seed: int = 0) -> dict:
    key = jax.random.key(seed)
    k1, k2, k3 = jax.random.split(key, 3)
    edge_attr = jax.random.randint(k1, (N_EDGES, 2), 0, 2, dtype=jnp.int64 if jax.config.jax_enable_x64 else jnp.int32)
    W_type = jax.random.normal(k2, (2, EMB_DIM), dtype=jnp.float32)
    W_dir = jax.random.normal(k3, (2, EMB_DIM), dtype=jnp.float32)
    return {"edge_attr": edge_attr, "W_type": W_type, "W_dir": W_dir}

def reference(edge_attr, W_type, W_dir):
    # embedding lookup: table[idx] for each of the two attribute columns, then sum
    emb_type = jnp.take(W_type, edge_attr[:, 0], axis=0)
    emb_dir = jnp.take(W_dir, edge_attr[:, 1], axis=0)
    return emb_type + emb_dir

if __name__ == "__main__":
    import jax
    _d = setup_inputs()
    print(jax.jit(kernel)(*tuple(_d.values())))

</pallas_src>

<mosaic_0001>
#map = affine_map<(d0, d1) -> (0)>
module attributes {stable_mosaic.version = 14 : i64} {
  func.func @run(%arg0: i32, %arg1: i32, %arg2: memref<6400000xi32, #tpu.memory_space<hbm>>, %arg3: memref<32xf32, #tpu.memory_space<hbm>>, %arg4: memref<32xf32, #tpu.memory_space<hbm>>, %arg5: memref<51200000xf32, #tpu.memory_space<hbm>>, %arg6: memref<4000xi32, #tpu.memory_space<vmem>>, %arg7: memref<32000xf32, #tpu.memory_space<vmem>>, %arg8: memref<32xf32, #tpu.memory_space<vmem>>, %arg9: memref<32xf32, #tpu.memory_space<vmem>>, %arg10: memref<64xf32, #tpu.memory_space<vmem>>) attributes {dimension_semantics = [#tpu.dimension_semantics<core_parallel>, #tpu.dimension_semantics<subcore_parallel>], iteration_bounds = array<i64: 2, 16>, scalar_prefetch = 0 : i64, scratch_operands = 5 : i64, tpu.core_type = #tpu.core_type<sc_vector_subcore>, window_params = [{transform_indices = #map}, {transform_indices = #map}, {transform_indices = #map}, {transform_indices = #map}]} {
    %mul3A = arith.constant 2 : i32
    %mul3A_0 = arith.muli %arg1, %mul3A : i32
    %add3A = arith.addi %mul3A_0, %arg0 : i32
    %iota3A = tpu.iota {dimensions = array<i32: 0>} : vector<16xi32>
    "tpu.region"() ({
      %run_scoped3A = tpu.sem_alloc : memref<!tpu.dma_semaphore, #tpu.memory_space<semaphore_mem>>
      tpu.enqueue_dma source(%arg3 : memref<32xf32, #tpu.memory_space<hbm>>) target(%arg8 : memref<32xf32, #tpu.memory_space<vmem>>) target_semaphore(%run_scoped3A : memref<!tpu.dma_semaphore, #tpu.memory_space<semaphore_mem>>)
      tpu.wait_dma2 semaphore(%run_scoped3A : memref<!tpu.dma_semaphore, #tpu.memory_space<semaphore_mem>>) src(%arg3 : memref<32xf32, #tpu.memory_space<hbm>>) dst(%arg8 : memref<32xf32, #tpu.memory_space<vmem>>)
      tpu.yield
    }) : () -> ()
    "tpu.region"() ({
      %run_scoped3A = tpu.sem_alloc : memref<!tpu.dma_semaphore, #tpu.memory_space<semaphore_mem>>
      tpu.enqueue_dma source(%arg4 : memref<32xf32, #tpu.memory_space<hbm>>) target(%arg9 : memref<32xf32, #tpu.memory_space<vmem>>) target_semaphore(%run_scoped3A : memref<!tpu.dma_semaphore, #tpu.memory_space<semaphore_mem>>)
      tpu.wait_dma2 semaphore(%run_scoped3A : memref<!tpu.dma_semaphore, #tpu.memory_space<semaphore_mem>>) src(%arg4 : memref<32xf32, #tpu.memory_space<hbm>>) dst(%arg9 : memref<32xf32, #tpu.memory_space<vmem>>)
      tpu.yield
    }) : () -> ()
    %get3A = arith.constant 0 : index
    %get3A_1 = tpu.vector_load %arg8[%get3A] {strides = array<i32>} : memref<32xf32, #tpu.memory_space<vmem>>, vector<16xf32>,
    %get3A_2 = arith.constant 16 : index
    %get3A_3 = tpu.vector_load %arg8[%get3A_2] {strides = array<i32>} : memref<32xf32, #tpu.memory_space<vmem>>, vector<16xf32>,
    %get3A_4 = arith.constant 0 : index
    %get3A_5 = tpu.vector_load %arg9[%get3A_4] {strides = array<i32>} : memref<32xf32, #tpu.memory_space<vmem>>, vector<16xf32>,
    %get3A_6 = arith.constant 16 : index
    %get3A_7 = tpu.vector_load %arg9[%get3A_6] {strides = array<i32>} : memref<32xf32, #tpu.memory_space<vmem>>, vector<16xf32>,
    %add3A_8 = arith.addf %get3A_1, %get3A_5 : vector<16xf32>
    %swap3A = arith.constant 0 : index
    %swap3A_9 = tpu.vector_load %arg10[%swap3A] {strides = array<i32>} : memref<64xf32, #tpu.memory_space<vmem>>, vector<16xf32>,
    tpu.vector_store %arg10[%swap3A], %add3A_8 {strides = array<i32>} : memref<64xf32, #tpu.memory_space<vmem>>, vector<16xf32>,
    %add3A_10 = arith.addf %get3A_1, %get3A_7 : vector<16xf32>
    %swap3A_11 = arith.constant 16 : index
    %swap3A_12 = tpu.vector_load %arg10[%swap3A_11] {strides = array<i32>} : memref<64xf32, #tpu.memory_space<vmem>>, vector<16xf32>,
    tpu.vector_store %arg10[%swap3A_11], %add3A_10 {strides = array<i32>} : memref<64xf32, #tpu.memory_space<vmem>>, vector<16xf32>,
    %add3A_13 = arith.addf %get3A_3, %get3A_5 : vector<16xf32>
    %swap3A_14 = arith.constant 32 : index
    %swap3A_15 = tpu.vector_load %arg10[%swap3A_14] {strides = array<i32>} : memref<64xf32, #tpu.memory_space<vmem>>, vector<16xf32>,
    tpu.vector_store %arg10[%swap3A_14], %add3A_13 {strides = array<i32>} : memref<64xf32, #tpu.memory_space<vmem>>, vector<16xf32>,
    %add3A_16 = arith.addf %get3A_3, %get3A_7 : vector<16xf32>
    %swap3A_17 = arith.constant 48 : index
    %swap3A_18 = tpu.vector_load %arg10[%swap3A_17] {strides = array<i32>} : memref<64xf32, #tpu.memory_space<vmem>>, vector<16xf32>,
    tpu.vector_store %arg10[%swap3A_17], %add3A_16 {strides = array<i32>} : memref<64xf32, #tpu.memory_space<vmem>>, vector<16xf32>,
    %scan3A = arith.constant 0 : i32
    %scan3A_19 = arith.constant 0 : i32
    %scan3A_20 = arith.constant 50 : i32
    %scan3A_21 = arith.addi %scan3A_19, %scan3A_20 : i32
    %scan3A_22 = arith.constant 1 : i32
    scf.for %scan3A_24 = %scan3A_19 to %scan3A_21 step %scan3A_22  : i32 {
      %mul3A_25 = arith.constant 100000 : i32
      %mul3A_26 = arith.muli %add3A, %mul3A_25 : i32
      %mul3A_27 = arith.constant 2000 : i32
      %mul3A_28 = arith.muli %scan3A_24, %mul3A_27 : i32
      %add3A_29 = arith.addi %mul3A_26, %mul3A_28 : i32
      %mul3A_30 = arith.constant 2 : i32
      %mul3A_31 = arith.muli %add3A_29, %mul3A_30 : i32
      "tpu.region"() ({
        %run_scoped3A = tpu.sem_alloc : memref<!tpu.dma_semaphore, #tpu.memory_space<semaphore_mem>>
        %dma_start3A = tpu.memref_slice %arg2[%mul3A_31] : memref<6400000xi32, #tpu.memory_space<hbm>> -> memref<4000xi32, #tpu.memory_space<hbm>>
        %dma_start3A_40 = tpu.memref_slice %arg2[%mul3A_31] : memref<6400000xi32, #tpu.memory_space<hbm>> -> memref<4000xi32, #tpu.memory_space<hbm>>
        tpu.enqueue_dma source(%dma_start3A_40 : memref<4000xi32, #tpu.memory_space<hbm>>) target(%arg6 : memref<4000xi32, #tpu.memory_space<vmem>>) target_semaphore(%run_scoped3A : memref<!tpu.dma_semaphore, #tpu.memory_space<semaphore_mem>>)
        %dma_wait3A = tpu.memref_slice %arg2[%mul3A_31] : memref<6400000xi32, #tpu.memory_space<hbm>> -> memref<4000xi32, #tpu.memory_space<hbm>>
        %dma_wait3A_41 = tpu.memref_slice %arg2[%mul3A_31] : memref<6400000xi32, #tpu.memory_space<hbm>> -> memref<4000xi32, #tpu.memory_space<hbm>>
        tpu.wait_dma2 semaphore(%run_scoped3A : memref<!tpu.dma_semaphore, #tpu.memory_space<semaphore_mem>>) src(%dma_wait3A_41 : memref<4000xi32, #tpu.memory_space<hbm>>) dst(%arg6 : memref<4000xi32, #tpu.memory_space<vmem>>)
        tpu.yield
      }) : () -> ()
      %scan3A_32 = arith.constant 0 : i32
      %scan3A_33 = arith.constant 0 : i32
      %scan3A_34 = arith.constant 125 : i32
      %scan3A_35 = arith.addi %scan3A_33, %scan3A_34 : i32
      %scan3A_36 = arith.constant 1 : i32
      scf.for %scan3A_40 = %scan3A_33 to %scan3A_35 step %scan3A_36  : i32 {
        %mul3A_41 = arith.constant 32 : i32
        %mul3A_42 = arith.muli %scan3A_40, %mul3A_41 : i32
        %mul3A_43 = arith.constant 2 : i32
        %mul3A_44 = vector.broadcast %mul3A_43 : i32 to vector<16xi32>
        %mul3A_45 = arith.muli %iota3A, %mul3A_44 : vector<16xi32>
        %add3A_46 = vector.broadcast %mul3A_42 : i32 to vector<16xi32>
        %add3A_47 = arith.addi %add3A_46, %mul3A_45 : vector<16xi32>
        %gather3A = tpu.vector_load_idx %arg6[%add3A_47] : memref<4000xi32, #tpu.memory_space<vmem>>[vector<16xi32>], vector<16xi32>,
        %add3A_48 = arith.constant 1 : i32
        %add3A_49 = vector.broadcast %add3A_48 : i32 to vector<16xi32>
        %add3A_50 = arith.addi %add3A_47, %add3A_49 : vector<16xi32>
        %gather3A_51 = tpu.vector_load_idx %arg6[%add3A_50] : memref<4000xi32, #tpu.memory_space<vmem>>[vector<16xi32>], vector<16xi32>,
        %mul3A_52 = arith.constant 2 : i32
        %mul3A_53 = vector.broadcast %mul3A_52 : i32 to vector<16xi32>
        %mul3A_54 = arith.muli %gather3A, %mul3A_53 : vector<16xi32>
        %add3A_55 = arith.addi %mul3A_54, %gather3A_51 : vector<16xi32>
        %mul3A_56 = arith.constant 16 : i32
        %mul3A_57 = vector.broadcast %mul3A_56 : i32 to vector<16xi32>
        %mul3A_58 = arith.muli %add3A_55, %mul3A_57 : vector<16xi32>
        %mul3A_59 = arith.constant 256 : i32
        %mul3A_60 = arith.muli %scan3A_40, %mul3A_59 : i32
        %mul3A_61 = arith.constant 16 : i32
        %mul3A_62 = vector.broadcast %mul3A_61 : i32 to vector<16xi32>
        %mul3A_63 = arith.muli %iota3A, %mul3A_62 : vector<16xi32>
        %add3A_64 = vector.broadcast %mul3A_60 : i32 to vector<16xi32>
        %add3A_65 = arith.addi %add3A_64, %mul3A_63 : vector<16xi32>
        %add3A_66 = arith.constant 0 : i32
        %add3A_67 = vector.broadcast %add3A_66 : i32 to vector<16xi32>
        %add3A_68 = arith.addi %iota3A, %add3A_67 : vector<16xi32>
        %and3A = arith.constant 15 : i32
        %and3A_69 = vector.broadcast %and3A : i32 to vector<16xi32>
        %and3A_70 = arith.andi %add3A_68, %and3A_69 : vector<16xi32>
        %add3A_71 = arith.addi %mul3A_58, %and3A_70 : vector<16xi32>
        %gather3A_72 = tpu.vector_load_idx %arg10[%add3A_71] : memref<64xf32, #tpu.memory_space<vmem>>[vector<16xi32>], vector<16xf32>,
        %add3A_73 = arith.constant 1 : i32
        %add3A_74 = vector.broadcast %add3A_73 : i32 to vector<16xi32>
        %add3A_75 = arith.addi %iota3A, %add3A_74 : vector<16xi32>
        %and3A_76 = arith.constant 15 : i32
        %and3A_77 = vector.broadcast %and3A_76 : i32 to vector<16xi32>
        %and3A_78 = arith.andi %add3A_75, %and3A_77 : vector<16xi32>
        %add3A_79 = arith.addi %mul3A_58, %and3A_78 : vector<16xi32>
        %gather3A_80 = tpu.vector_load_idx %arg10[%add3A_79] : memref<64xf32, #tpu.memory_space<vmem>>[vector<16xi32>], vector<16xf32>,
        %add3A_81 = arith.constant 2 : i32
        %add3A_82 = vector.broadcast %add3A_81 : i32 to vector<16xi32>
        %add3A_83 = arith.addi %iota3A, %add3A_82 : vector<16xi32>
        %and3A_84 = arith.constant 15 : i32
        %and3A_85 = vector.broadcast %and3A_84 : i32 to vector<16xi32>
        %and3A_86 = arith.andi %add3A_83, %and3A_85 : vector<16xi32>
        %add3A_87 = arith.addi %mul3A_58, %and3A_86 : vector<16xi32>
        %gather3A_88 = tpu.vector_load_idx %arg10[%add3A_87] : memref<64xf32, #tpu.memory_space<vmem>>[vector<16xi32>], vector<16xf32>,
        %add3A_89 = arith.constant 3 : i32
        %add3A_90 = vector.broadcast %add3A_89 : i32 to vector<16xi32>
        %add3A_91 = arith.addi %iota3A, %add3A_90 : vector<16xi32>
        %and3A_92 = arith.constant 15 : i32
        %and3A_93 = vector.broadcast %and3A_92 : i32 to vector<16xi32>
        %and3A_94 = arith.andi %add3A_91, %and3A_93 : vector<16xi32>
        %add3A_95 = arith.addi %mul3A_58, %and3A_94 : vector<16xi32>
        %gather3A_96 = tpu.vector_load_idx %arg10[%add3A_95] : memref<64xf32, #tpu.memory_space<vmem>>[vector<16xi32>], vector<16xf32>,
        %add3A_97 = arith.constant 4 : i32
        %add3A_98 = vector.broadcast %add3A_97 : i32 to vector<16xi32>
        %add3A_99 = arith.addi %iota3A, %add3A_98 : vector<16xi32>
        %and3A_100 = arith.constant 15 : i32
        %and3A_101 = vector.broadcast %and3A_100 : i32 to vector<16xi32>
        %and3A_102 = arith.andi %add3A_99, %and3A_101 : vector<16xi32>
        %add3A_103 = arith.addi %mul3A_58, %and3A_102 : vector<16xi32>
        %gather3A_104 = tpu.vector_load_idx %arg10[%add3A_103] : memref<64xf32, #tpu.memory_space<vmem>>[vector<16xi32>], vector<16xf32>,
        %add3A_105 = arith.constant 5 : i32
        %add3A_106 = vector.broadcast %add3A_105 : i32 to vector<16xi32>
        %add3A_107 = arith.addi %iota3A, %add3A_106 : vector<16xi32>
        %and3A_108 = arith.constant 15 : i32
        %and3A_109 = vector.broadcast %and3A_108 : i32 to vector<16xi32>
        %and3A_110 = arith.andi %add3A_107, %and3A_109 : vector<16xi32>
        %add3A_111 = arith.addi %mul3A_58, %and3A_110 : vector<16xi32>
        %gather3A_112 = tpu.vector_load_idx %arg10[%add3A_111] : memref<64xf32, #tpu.memory_space<vmem>>[vector<16xi32>], vector<16xf32>,
        %add3A_113 = arith.constant 6 : i32
        %add3A_114 = vector.broadcast %add3A_113 : i32 to vector<16xi32>
        %add3A_115 = arith.addi %iota3A, %add3A_114 : vector<16xi32>
        %and3A_116 = arith.constant 15 : i32
        %and3A_117 = vector.broadcast %and3A_116 : i32 to vector<16xi32>
        %and3A_118 = arith.andi %add3A_115, %and3A_117 : vector<16xi32>
        %add3A_119 = arith.addi %mul3A_58, %and3A_118 : vector<16xi32>
        %gather3A_120 = tpu.vector_load_idx %arg10[%add3A_119] : memref<64xf32, #tpu.memory_space<vmem>>[vector<16xi32>], vector<16xf32>,
        %add3A_121 = arith.constant 7 : i32
        %add3A_122 = vector.broadcast %add3A_121 : i32 to vector<16xi32>
        %add3A_123 = arith.addi %iota3A, %add3A_122 : vector<16xi32>
        %and3A_124 = arith.constant 15 : i32
        %and3A_125 = vector.broadcast %and3A_124 : i32 to vector<16xi32>
        %and3A_126 = arith.andi %add3A_123, %and3A_125 : vector<16xi32>
        %add3A_127 = arith.addi %mul3A_58, %and3A_126 : vector<16xi32>
        %gather3A_128 = tpu.vector_load_idx %arg10[%add3A_127] : memref<64xf32, #tpu.memory_space<vmem>>[vector<16xi32>], vector<16xf32>,
        %add3A_129 = arith.constant 8 : i32
        %add3A_130 = vector.broadcast %add3A_129 : i32 to vector<16xi32>
        %add3A_131 = arith.addi %iota3A, %add3A_130 : vector<16xi32>
        %and3A_132 = arith.constant 15 : i32
        %and3A_133 = vector.broadcast %and3A_132 : i32 to vector<16xi32>
        %and3A_134 = arith.andi %add3A_131, %and3A_133 : vector<16xi32>
        %add3A_135 = arith.addi %mul3A_58, %and3A_134 : vector<16xi32>
        %gather3A_136 = tpu.vector_load_idx %arg10[%add3A_135] : memref<64xf32, #tpu.memory_space<vmem>>[vector<16xi32>], vector<16xf32>,
        %add3A_137 = arith.constant 9 : i32
        %add3A_138 = vector.broadcast %add3A_137 : i32 to vector<16xi32>
        %add3A_139 = arith.addi %iota3A, %add3A_138 : vector<16xi32>
        %and3A_140 = arith.constant 15 : i32
        %and3A_141 = vector.broadcast %and3A_140 : i32 to vector<16xi32>
        %and3A_142 = arith.andi %add3A_139, %and3A_141 : vector<16xi32>
        %add3A_143 = arith.addi %mul3A_58, %and3A_142 : vector<16xi32>
        %gather3A_144 = tpu.vector_load_idx %arg10[%add3A_143] : memref<64xf32, #tpu.memory_space<vmem>>[vector<16xi32>], vector<16xf32>,
        %add3A_145 = arith.constant 10 : i32
        %add3A_146 = vector.broadcast %add3A_145 : i32 to vector<16xi32>
        %add3A_147 = arith.addi %iota3A, %add3A_146 : vector<16xi32>
        %and3A_148 = arith.constant 15 : i32
        %and3A_149 = vector.broadcast %and3A_148 : i32 to vector<16xi32>
        %and3A_150 = arith.andi %add3A_147, %and3A_149 : vector<16xi32>
        %add3A_151 = arith.addi %mul3A_58, %and3A_150 : vector<16xi32>
        %gather3A_152 = tpu.vector_load_idx %arg10[%add3A_151] : memref<64xf32, #tpu.memory_space<vmem>>[vector<16xi32>], vector<16xf32>,
        %add3A_153 = arith.constant 11 : i32
        %add3A_154 = vector.broadcast %add3A_153 : i32 to vector<16xi32>
        %add3A_155 = arith.addi %iota3A, %add3A_154 : vector<16xi32>
        %and3A_156 = arith.constant 15 : i32
        %and3A_157 = vector.broadcast %and3A_156 : i32 to vector<16xi32>
        %and3A_158 = arith.andi %add3A_155, %and3A_157 : vector<16xi32>
        %add3A_159 = arith.addi %mul3A_58, %and3A_158 : vector<16xi32>
        %gather3A_160 = tpu.vector_load_idx %arg10[%add3A_159] : memref<64xf32, #tpu.memory_space<vmem>>[vector<16xi32>], vector<16xf32>,
        %add3A_161 = arith.constant 12 : i32
        %add3A_162 = vector.broadcast %add3A_161 : i32 to vector<16xi32>
        %add3A_163 = arith.addi %iota3A, %add3A_162 : vector<16xi32>
        %and3A_164 = arith.constant 15 : i32
        %and3A_165 = vector.broadcast %and3A_164 : i32 to vector<16xi32>
        %and3A_166 = arith.andi %add3A_163, %and3A_165 : vector<16xi32>
        %add3A_167 = arith.addi %mul3A_58, %and3A_166 : vector<16xi32>
        %gather3A_168 = tpu.vector_load_idx %arg10[%add3A_167] : memref<64xf32, #tpu.memory_space<vmem>>[vector<16xi32>], vector<16xf32>,
        %add3A_169 = arith.constant 13 : i32
        %add3A_170 = vector.broadcast %add3A_169 : i32 to vector<16xi32>
        %add3A_171 = arith.addi %iota3A, %add3A_170 : vector<16xi32>
        %and3A_172 = arith.constant 15 : i32
        %and3A_173 = vector.broadcast %and3A_172 : i32 to vector<16xi32>
        %and3A_174 = arith.andi %add3A_171, %and3A_173 : vector<16xi32>
        %add3A_175 = arith.addi %mul3A_58, %and3A_174 : vector<16xi32>
        %gather3A_176 = tpu.vector_load_idx %arg10[%add3A_175] : memref<64xf32, #tpu.memory_space<vmem>>[vector<16xi32>], vector<16xf32>,
        %add3A_177 = arith.constant 14 : i32
        %add3A_178 = vector.broadcast %add3A_177 : i32 to vector<16xi32>
        %add3A_179 = arith.addi %iota3A, %add3A_178 : vector<16xi32>
        %and3A_180 = arith.constant 15 : i32
        %and3A_181 = vector.broadcast %and3A_180 : i32 to vector<16xi32>
        %and3A_182 = arith.andi %add3A_179, %and3A_181 : vector<16xi32>
        %add3A_183 = arith.addi %mul3A_58, %and3A_182 : vector<16xi32>
        %gather3A_184 = tpu.vector_load_idx %arg10[%add3A_183] : memref<64xf32, #tpu.memory_space<vmem>>[vector<16xi32>], vector<16xf32>,
        %add3A_185 = arith.constant 15 : i32
        %add3A_186 = vector.broadcast %add3A_185 : i32 to vector<16xi32>
        %add3A_187 = arith.addi %iota3A, %add3A_186 : vector<16xi32>
        %and3A_188 = arith.constant 15 : i32
        %and3A_189 = vector.broadcast %and3A_188 : i32 to vector<16xi32>
        %and3A_190 = arith.andi %add3A_187, %and3A_189 : vector<16xi32>
        %add3A_191 = arith.addi %mul3A_58, %and3A_190 : vector<16xi32>
        %gather3A_192 = tpu.vector_load_idx %arg10[%add3A_191] : memref<64xf32, #tpu.memory_space<vmem>>[vector<16xi32>], vector<16xf32>,
        %add3A_193 = arith.constant 0 : i32
        %add3A_194 = vector.broadcast %add3A_193 : i32 to vector<16xi32>
        %add3A_195 = arith.addi %iota3A, %add3A_194 : vector<16xi32>
        %and3A_196 = arith.constant 15 : i32
        %and3A_197 = vector.broadcast %and3A_196 : i32 to vector<16xi32>
        %and3A_198 = arith.andi %add3A_195, %and3A_197 : vector<16xi32>
        %add3A_199 = arith.addi %add3A_65, %and3A_198 : vector<16xi32>
        tpu.vector_store_idx %arg7[%add3A_199], %gather3A_72 : memref<32000xf32, #tpu.memory_space<vmem>>[vector<16xi32>], vector<16xf32>,
        %add3A_200 = arith.constant 1 : i32
        %add3A_201 = vector.broadcast %add3A_200 : i32 to vector<16xi32>
        %add3A_202 = arith.addi %iota3A, %add3A_201 : vector<16xi32>
        %and3A_203 = arith.constant 15 : i32
        %and3A_204 = vector.broadcast %and3A_203 : i32 to vector<16xi32>
        %and3A_205 = arith.andi %add3A_202, %and3A_204 : vector<16xi32>
        %add3A_206 = arith.addi %add3A_65, %and3A_205 : vector<16xi32>
        tpu.vector_store_idx %arg7[%add3A_206], %gather3A_80 : memref<32000xf32, #tpu.memory_space<vmem>>[vector<16xi32>], vector<16xf32>,
        %add3A_207 = arith.constant 2 : i32
        %add3A_208 = vector.broadcast %add3A_207 : i32 to vector<16xi32>
        %add3A_209 = arith.addi %iota3A, %add3A_208 : vector<16xi32>
        %and3A_210 = arith.constant 15 : i32
        %and3A_211 = vector.broadcast %and3A_210 : i32 to vector<16xi32>
        %and3A_212 = arith.andi %add3A_209, %and3A_211 : vector<16xi32>
        %add3A_213 = arith.addi %add3A_65, %and3A_212 : vector<16xi32>
        tpu.vector_store_idx %arg7[%add3A_213], %gather3A_88 : memref<32000xf32, #tpu.memory_space<vmem>>[vector<16xi32>], vector<16xf32>,
        %add3A_214 = arith.constant 3 : i32
        %add3A_215 = vector.broadcast %add3A_214 : i32 to vector<16xi32>
        %add3A_216 = arith.addi %iota3A, %add3A_215 : vector<16xi32>
        %and3A_217 = arith.constant 15 : i32
        %and3A_218 = vector.broadcast %and3A_217 : i32 to vector<16xi32>
        %and3A_219 = arith.andi %add3A_216, %and3A_218 : vector<16xi32>
        %add3A_220 = arith.addi %add3A_65, %and3A_219 : vector<16xi32>
        tpu.vector_store_idx %arg7[%add3A_220], %gather3A_96 : memref<32000xf32, #tpu.memory_space<vmem>>[vector<16xi32>], vector<16xf32>,
        %add3A_221 = arith.constant 4 : i32
        %add3A_222 = vector.broadcast %add3A_221 : i32 to vector<16xi32>
        %add3A_223 = arith.addi %iota3A, %add3A_222 : vector<16xi32>
        %and3A_224 = arith.constant 15 : i32
        %and3A_225 = vector.broadcast %and3A_224 : i32 to vector<16xi32>
        %and3A_226 = arith.andi %add3A_223, %and3A_225 : vector<16xi32>
        %add3A_227 = arith.addi %add3A_65, %and3A_226 : vector<16xi32>
        tpu.vector_store_idx %arg7[%add3A_227], %gather3A_104 : memref<32000xf32, #tpu.memory_space<vmem>>[vector<16xi32>], vector<16xf32>,
        %add3A_228 = arith.constant 5 : i32
        %add3A_229 = vector.broadcast %add3A_228 : i32 to vector<16xi32>
        %add3A_230 = arith.addi %iota3A, %add3A_229 : vector<16xi32>
        %and3A_231 = arith.constant 15 : i32
        %and3A_232 = vector.broadcast %and3A_231 : i32 to vector<16xi32>
        %and3A_233 = arith.andi %add3A_230, %and3A_232 : vector<16xi32>
        %add3A_234 = arith.addi %add3A_65, %and3A_233 : vector<16xi32>
        tpu.vector_store_idx %arg7[%add3A_234], %gather3A_112 : memref<32000xf32, #tpu.memory_space<vmem>>[vector<16xi32>], vector<16xf32>,
        %add3A_235 = arith.constant 6 : i32
        %add3A_236 = vector.broadcast %add3A_235 : i32 to vector<16xi32>
        %add3A_237 = arith.addi %iota3A, %add3A_236 : vector<16xi32>
        %and3A_238 = arith.constant 15 : i32
        %and3A_239 = vector.broadcast %and3A_238 : i32 to vector<16xi32>
        %and3A_240 = arith.andi %add3A_237, %and3A_239 : vector<16xi32>
        %add3A_241 = arith.addi %add3A_65, %and3A_240 : vector<16xi32>
        tpu.vector_store_idx %arg7[%add3A_241], %gather3A_120 : memref<32000xf32, #tpu.memory_space<vmem>>[vector<16xi32>], vector<16xf32>,
        %add3A_242 = arith.constant 7 : i32
        %add3A_243 = vector.broadcast %add3A_242 : i32 to vector<16xi32>
        %add3A_244 = arith.addi %iota3A, %add3A_243 : vector<16xi32>
        %and3A_245 = arith.constant 15 : i32
        %and3A_246 = vector.broadcast %and3A_245 : i32 to vector<16xi32>
        %and3A_247 = arith.andi %add3A_244, %and3A_246 : vector<16xi32>
        %add3A_248 = arith.addi %add3A_65, %and3A_247 : vector<16xi32>
        tpu.vector_store_idx %arg7[%add3A_248], %gather3A_128 : memref<32000xf32, #tpu.memory_space<vmem>>[vector<16xi32>], vector<16xf32>,
        %add3A_249 = arith.constant 8 : i32
        %add3A_250 = vector.broadcast %add3A_249 : i32 to vector<16xi32>
        %add3A_251 = arith.addi %iota3A, %add3A_250 : vector<16xi32>
        %and3A_252 = arith.constant 15 : i32
        %and3A_253 = vector.broadcast %and3A_252 : i32 to vector<16xi32>
        %and3A_254 = arith.andi %add3A_251, %and3A_253 : vector<16xi32>
        %add3A_255 = arith.addi %add3A_65, %and3A_254 : vector<16xi32>
        tpu.vector_store_idx %arg7[%add3A_255], %gather3A_136 : memref<32000xf32, #tpu.memory_space<vmem>>[vector<16xi32>], vector<16xf32>,
        %add3A_256 = arith.constant 9 : i32
        %add3A_257 = vector.broadcast %add3A_256 : i32 to vector<16xi32>
        %add3A_258 = arith.addi %iota3A, %add3A_257 : vector<16xi32>
        %and3A_259 = arith.constant 15 : i32
        %and3A_260 = vector.broadcast %and3A_259 : i32 to vector<16xi32>
        %and3A_261 = arith.andi %add3A_258, %and3A_260 : vector<16xi32>
        %add3A_262 = arith.addi %add3A_65, %and3A_261 : vector<16xi32>
        tpu.vector_store_idx %arg7[%add3A_262], %gather3A_144 : memref<32000xf32, #tpu.memory_space<vmem>>[vector<16xi32>], vector<16xf32>,
        %add3A_263 = arith.constant 10 : i32
        %add3A_264 = vector.broadcast %add3A_263 : i32 to vector<16xi32>
        %add3A_265 = arith.addi %iota3A, %add3A_264 : vector<16xi32>
        %and3A_266 = arith.constant 15 : i32
        %and3A_267 = vector.broadcast %and3A_266 : i32 to vector<16xi32>
        %and3A_268 = arith.andi %add3A_265, %and3A_267 : vector<16xi32>
        %add3A_269 = arith.addi %add3A_65, %and3A_268 : vector<16xi32>
        tpu.vector_store_idx %arg7[%add3A_269], %gather3A_152 : memref<32000xf32, #tpu.memory_space<vmem>>[vector<16xi32>], vector<16xf32>,
        %add3A_270 = arith.constant 11 : i32
        %add3A_271 = vector.broadcast %add3A_270 : i32 to vector<16xi32>
        %add3A_272 = arith.addi %iota3A, %add3A_271 : vector<16xi32>
        %and3A_273 = arith.constant 15 : i32
        %and3A_274 = vector.broadcast %and3A_273 : i32 to vector<16xi32>
        %and3A_275 = arith.andi %add3A_272, %and3A_274 : vector<16xi32>
        %add3A_276 = arith.addi %add3A_65, %and3A_275 : vector<16xi32>
        tpu.vector_store_idx %arg7[%add3A_276], %gather3A_160 : memref<32000xf32, #tpu.memory_space<vmem>>[vector<16xi32>], vector<16xf32>,
        %add3A_277 = arith.constant 12 : i32
        %add3A_278 = vector.broadcast %add3A_277 : i32 to vector<16xi32>
        %add3A_279 = arith.addi %iota3A, %add3A_278 : vector<16xi32>
        %and3A_280 = arith.constant 15 : i32
        %and3A_281 = vector.broadcast %and3A_280 : i32 to vector<16xi32>
        %and3A_282 = arith.andi %add3A_279, %and3A_281 : vector<16xi32>
        %add3A_283 = arith.addi %add3A_65, %and3A_282 : vector<16xi32>
        tpu.vector_store_idx %arg7[%add3A_283], %gather3A_168 : memref<32000xf32, #tpu.memory_space<vmem>>[vector<16xi32>], vector<16xf32>,
        %add3A_284 = arith.constant 13 : i32
        %add3A_285 = vector.broadcast %add3A_284 : i32 to vector<16xi32>
        %add3A_286 = arith.addi %iota3A, %add3A_285 : vector<16xi32>
        %and3A_287 = arith.constant 15 : i32
        %and3A_288 = vector.broadcast %and3A_287 : i32 to vector<16xi32>
        %and3A_289 = arith.andi %add3A_286, %and3A_288 : vector<16xi32>
        %add3A_290 = arith.addi %add3A_65, %and3A_289 : vector<16xi32>
        tpu.vector_store_idx %arg7[%add3A_290], %gather3A_176 : memref<32000xf32, #tpu.memory_space<vmem>>[vector<16xi32>], vector<16xf32>,
        %add3A_291 = arith.constant 14 : i32
        %add3A_292 = vector.broadcast %add3A_291 : i32 to vector<16xi32>
        %add3A_293 = arith.addi %iota3A, %add3A_292 : vector<16xi32>
        %and3A_294 = arith.constant 15 : i32
        %and3A_295 = vector.broadcast %and3A_294 : i32 to vector<16xi32>
        %and3A_296 = arith.andi %add3A_293, %and3A_295 : vector<16xi32>
        %add3A_297 = arith.addi %add3A_65, %and3A_296 : vector<16xi32>
        tpu.vector_store_idx %arg7[%add3A_297], %gather3A_184 : memref<32000xf32, #tpu.memory_space<vmem>>[vector<16xi32>], vector<16xf32>,
        %add3A_298 = arith.constant 15 : i32
        %add3A_299 = vector.broadcast %add3A_298 : i32 to vector<16xi32>
        %add3A_300 = arith.addi %iota3A, %add3A_299 : vector<16xi32>
        %and3A_301 = arith.constant 15 : i32
        %and3A_302 = vector.broadcast %and3A_301 : i32 to vector<16xi32>
        %and3A_303 = arith.andi %add3A_300, %and3A_302 : vector<16xi32>
        %add3A_304 = arith.addi %add3A_65, %and3A_303 : vector<16xi32>
        tpu.vector_store_idx %arg7[%add3A_304], %gather3A_192 : memref<32000xf32, #tpu.memory_space<vmem>>[vector<16xi32>], vector<16xf32>,
      }
      %scan3A_37 = arith.constant 125 : i32
      %mul3A_38 = arith.constant 16 : i32
      %mul3A_39 = arith.muli %add3A_29, %mul3A_38 : i32
      "tpu.region"() ({
        %run_scoped3A = tpu.sem_alloc : memref<!tpu.dma_semaphore, #tpu.memory_space<semaphore_mem>>
        %dma_start3A = tpu.memref_slice %arg5[%mul3A_39] : memref<51200000xf32, #tpu.memory_space<hbm>> -> memref<32000xf32, #tpu.memory_space<hbm>>
        %dma_start3A_40 = tpu.memref_slice %arg5[%mul3A_39] : memref<51200000xf32, #tpu.memory_space<hbm>> -> memref<32000xf32, #tpu.memory_space<hbm>>
        tpu.enqueue_dma source(%arg7 : memref<32000xf32, #tpu.memory_space<vmem>>) target(%dma_start3A_40 : memref<32000xf32, #tpu.memory_space<hbm>>) target_semaphore(%run_scoped3A : memref<!tpu.dma_semaphore, #tpu.memory_space<semaphore_mem>>)
        %dma_wait3A = tpu.memref_slice %arg5[%mul3A_39] : memref<51200000xf32, #tpu.memory_space<hbm>> -> memref<32000xf32, #tpu.memory_space<hbm>>
        %dma_wait3A_41 = tpu.memref_slice %arg5[%mul3A_39] : memref<51200000xf32, #tpu.memory_space<hbm>> -> memref<32000xf32, #tpu.memory_space<hbm>>
        tpu.wait_dma2 semaphore(%run_scoped3A : memref<!tpu.dma_semaphore, #tpu.memory_space<semaphore_mem>>) src(%arg7 : memref<32000xf32, #tpu.memory_space<vmem>>) dst(%dma_wait3A_41 : memref<32000xf32, #tpu.memory_space<hbm>>)
        tpu.yield
      }) : () -> ()
    }
    %scan3A_23 = arith.constant 50 : i32
    return
  }
}

</mosaic_0001>

<sc_bundles>
// kernel: kernel.3.cloned.1.call-start
scs
__scs_entry_jumppad:
0x0: {  	(pc) =	sbr.rel $0x88, $3  }
0x1: {  	(tag) =	ssettag $0x0;
	lr =	simm.s32 $0x1  }
0x2: {  	[smem:$0x3F9E] =	sst lr;
	_ =	strace $0xD0000000  }
0x3: {  	_ = 	snop  }
0x4: {  	_ = 	snop  }
0x5: {  	_ = 	snop  }
0x6: {  	_ = 	snop  }
0x7: {  	_ = 	snop  }
__scs_overlays_trampoline_lowered:
0x8: {  	[smem:$0x3FAD] =	sst s0  }
0x9: {  	[smem:$0x3FAE] =	sst s1  }
0xa: {  	[smem:$0x3FAF] =	sst s2  }
0xb: {  	[smem:$0x3FB0] =	sst s3  }
0xc: {  	[smem:$0x3FB1] =	sst s4  }
0xd: {  	[smem:$0x3FB2] =	sst s5  }
0xe: {  	[smem:$0x3FB3] =	sst s6  }
0xf: {  	[smem:$0x3FB4] =	sst s7  }
0x10: {  	[smem:$0x3FB5] =	sst s8  }
0x11: {  	[smem:$0x3FB6] =	sst s9;
	s0 =	simm.s32 @!p0 $0x0  }
0x12: {  	s1 =	sld [smem:$0x3F9C];
	s0 =	simm.s32 @p0 $0x1  }
0x13: {  	[smem:$0x3FB7] =	sst s0;
	s0 =	simm.s32 @!p1 $0x0  }
0x14: {  	s2 =	sld [smem:$0x3F9B];
	s0 =	simm.s32 @p1 $0x1  }
0x15: {  	[smem:$0x3FB8] =	sst s0;
	s0 =	simm.s32 @!p2 $0x0  }
0x16: {  	s3 =	sld [smem:$0x3FDB];
	s0 =	simm.s32 @p2 $0x1  }
0x17: {  	s4 =	simm.s32 $0x1BF5;
	[smem:$0x3FBA] =	sst s0  }
0x18: {  	s0 =	sld [smem:$0x3F9D];
	_ =	swait.ge [sflag:s4], $0x0  }
0x19: {  	s7 =	sld [smem:$0x3F9E]  }
0x1a: {  	s8 =	sadd.s32 $0xFFFFE003, lr  }
0x1b: {  	s9 =	sadd.s32 $0xFFFFFEF7, lr;
	s5 =	simm.s32 $0xFFFFFFFF;
	p2 =	slt.u32 s8, $0xFFFFF086  }
0x1c: {  	p1 =	slt.u32 s9, $0xF7A;
	s5 =	simm.s32 @!p2 $0x0  }
0x1d: {  	s5 =	simm.s32 @p1 $0x1;
	p0 =	seq.s32 s7, s2  }
0x1e: {  	s7 =	smul.u32 @!p0 $0xF7A, s2;
	p2 =	seq.s32 @!p0 s5, $0x0  }
0x1f: {  	s9 =	smul.u32 $0xF7A, s1;
	s8 =	simm.s32 @!p0 $0x1BF5;
	p2 =	por !p2, p0  }
0x20: {  	[sflag:s8] =	ssyncset.s32 @!p0 $0xFFFFF086;
	s6 =	sadd.s32 @!p0 s3, s7;
	s7 =	simm.s32 @!p0 $0x108  }
0x21: {  	s3 =	sadd.s32 s3, s9;
	s6 =	sadd.s32 @!p0 $0x88, s6;
	s7 =	simm.s32 @p2 $0x1082  }
0x22: {  	[simem:s7], [sflag:s8] =	dma.local @!p0 [hbm:s6], $0xF7A  }
0x23: {  	s9 =	sor.u32 $0xD0000000, s2;
	s6 =	simm.s32 $0x108;
	_ =	swait.ge @!p0 [sflag:s8], $0x0  }
0x24: {  	s3 =	sadd.s32 $0x88, s3;
	s6 =	simm.s32 @!p1 $0x1082;
	[sflag:s4] =	ssyncset.s32 $0xFFFFF086  }
0x25: {  	[simem:s6], [sflag:s4] =	dma.local [hbm:s3], $0xF7A  }
0x26: {  	[smem:$0x3F9E] =	sst s1;
	(tag) =	ssettag s2;
	_ =	strace s9  }
0x27: {  	s1 =	sld [smem:$0x3FAE]  }
0x28: {  	s2 =	sld [smem:$0x3FAF]  }
0x29: {  	s4 =	sld [smem:$0x3FB1]  }
0x2a: {  	p0 =	seq.s32 s5, $0x0;
	s5 =	sld [smem:$0x3FB2]  }
0x2b: {  	s6 =	sld [smem:$0x3FB3]  }
0x2c: {  	s7 =	sld [smem:$0x3FB4]  }
0x2d: {  	s3 =	simm.s32 $0x108;
	s8 =	sld [smem:$0x3FB5]  }
0x2e: {  	s3 =	simm.s32 @!p0 $0x1082;
	s9 =	sld [smem:$0x3FB6]  }
0x2f: {  	lr =	sadd.s32 s0, s3;
	s0 =	sld [smem:$0x3FAD]  }
0x30: {  	s3 =	sld [smem:$0x3FB0]  }
0x31: {  	[smem:$0x3FB9] =	sst s10  }
0x32: {  	s10 =	sld [smem:$0x3FB7];
	_ =	sdelay $0x3  }
0x33: {  	p0 =	seq.s32 s10, $0x1;
	s10 =	sld [smem:$0x3FB9];
	_ =	sdelay $0x3  }
0x34: {  	[smem:$0x3FB9] =	sst s10  }
0x35: {  	s10 =	sld [smem:$0x3FB8];
	_ =	sdelay $0x3  }
0x36: {  	p1 =	seq.s32 s10, $0x1;
	s10 =	sld [smem:$0x3FB9];
	_ =	sdelay $0x3  }
0x37: {  	[smem:$0x3FB9] =	sst s10  }
0x38: {  	s10 =	sld [smem:$0x3FBA]  }
0x39: {  	_ = 	snop;
	(pc) =	sbr.ind lr, $3  }
0x3a: {  	_ = 	snop  }
0x3b: {  	_ = 	snop  }
0x3c: {  	p2 =	seq.s32 s10, $0x1;
	s10 =	sld [smem:$0x3FB9]  }
0x3d: {  	_ =	shalt  }
0x3e: {  	_ =	shalt  }
0x3f: {  	_ =	shalt  }
0x40: {  	_ =	shalt  }
0x41: {  	_ =	shalt  }
0x42: {  	_ =	shalt  }
0x43: {  	_ =	shalt  }
0x44: {  	_ =	shalt  }
0x45: {  	_ =	shalt  }
0x46: {  	_ =	shalt  }
0x47: {  	_ =	shalt  }
0x48: {  	_ =	shalt  }
0x49: {  	_ =	shalt  }
0x4a: {  	_ =	shalt  }
0x4b: {  	_ =	shalt  }
0x4c: {  	_ =	shalt  }
0x4d: {  	_ =	shalt  }
0x4e: {  	_ =	shalt  }
0x4f: {  	_ =	shalt  }
0x50: {  	_ =	shalt  }
0x51: {  	_ =	shalt  }
0x52: {  	_ =	shalt  }
0x53: {  	_ =	shalt  }
0x54: {  	_ =	shalt  }
0x55: {  	_ =	shalt  }
0x56: {  	_ =	shalt  }
0x57: {  	_ =	shalt  }
0x58: {  	_ =	shalt  }
0x59: {  	_ =	shalt  }
0x5a: {  	_ =	shalt  }
0x5b: {  	_ =	shalt  }
0x5c: {  	_ =	shalt  }
0x5d: {  	_ =	shalt  }
0x5e: {  	_ =	shalt  }
0x5f: {  	_ =	shalt  }
0x60: {  	_ =	shalt  }
0x61: {  	_ =	shalt  }
0x62: {  	_ =	shalt  }
0x63: {  	_ =	shalt  }
0x64: {  	_ =	shalt  }
0x65: {  	_ =	shalt  }
0x66: {  	_ =	shalt  }
0x67: {  	_ =	shalt  }
0x68: {  	_ =	shalt  }
0x69: {  	_ =	shalt  }
0x6a: {  	_ =	shalt  }
0x6b: {  	_ =	shalt  }
0x6c: {  	_ =	shalt  }
0x6d: {  	_ =	shalt  }
0x6e: {  	_ =	shalt  }
0x6f: {  	_ =	shalt  }
0x70: {  	_ =	shalt  }
0x71: {  	_ =	shalt  }
0x72: {  	_ =	shalt  }
0x73: {  	_ =	shalt  }
0x74: {  	_ =	shalt  }
0x75: {  	_ =	shalt  }
0x76: {  	_ =	shalt  }
0x77: {  	_ =	shalt  }
0x78: {  	_ =	shalt  }
0x79: {  	_ =	shalt  }
0x7a: {  	_ =	shalt  }
0x7b: {  	_ =	shalt  }
0x7c: {  	_ =	shalt  }
0x7d: {  	_ =	shalt  }
0x7e: {  	_ =	shalt  }
0x7f: {  	_ =	shalt  }
0x80: {  	_ =	shalt  }
0x81: {  	_ =	shalt  }
0x82: {  	_ =	shalt  }
0x83: {  	_ =	shalt  }
0x84: {  	_ =	shalt  }
0x85: {  	_ =	shalt  }
0x86: {  	_ =	shalt  }
0x87: {  	_ =	shalt  }
.Lfunc_end0:
.L_simem_size_0:
called_computation.1_lowered:
.L_overlay_start_0:
0x88: {  	s2 =	sld [smem:$0x3FD9]  }
0x89: {  	s3 =	sld [smem:$0x3FFE];
	_ =	sdelay $0x1  }
0x8a: {  	s1 =	srdreg.scid  }
0x8b: {  	s0 =	sand.u32 $0x1, s1  }
0x8c: {  	s17 =	sshll.u32 s0, $0xA;
	s2 =	sadd.s32 s3, s2  }
0x8d: {  	s2 =	sadd.s32 s2, s17  }
0x8e: {  	[smem:$0x3FC5] =	sst s2  }
0x8f: {  	_ = 	snop  }
0x90: {  	s2 =	sld [smem:$0x3FD0];
	(tm) =	ssettm $0x1  }
0x91: {  	s18 =	sld [smem:$0x3FFB];
	_ =	sdelay $0x3  }
0x92: {  	_ =	strace s18  }
0x93: {  	s3 =	sld [smem:$0x3FFC];
	_ =	sdelay $0x3  }
0x94: {  	_ =	strace s3  }
0x95: {  	s3 =	sld [smem:$0x3FFD];
	_ =	sdelay $0x3  }
0x96: {  	_ =	strace s3  }
0x97: {  	_ =	strace $0x8FFFFFFF  }
0x98: {  	s19 =	sld [smem:$0x3FDB];
	_ =	sdelay $0x1  }
0x99: {  	s4 =	simm.s32 $_scs_section_size  }
0x9a: {  	s5 =	simm.s32 $_size__tile_overlayer_lowered;
	s6 =	simm.s32 $_tile_overlayer_lowered  }
0x9b: {  	s22 =	simm.s32 $0x1BFF;
	s21 =	sshll.u32 s6, $0x1;
	s3 =	sadd.s32 s4, s19  }
0x9c: {  	s7 =	simm.s32 $0x0;
	s20 =	sshll.u32 s5, $0x1;
	s5 =	sadd.s32 s21, s3  }
0x9d: {  	[timem:s7], [sflag:s22] =	dma.local [hbm:s5], s20  }
0x9e: {  	_ =	swait.ge [sflag:s22], s20  }
0x9f: {  	s4 =	ssub.s32 $0x0, s20;
	[sflag:s22] =	ssyncset.done $0x0  }
0xa0: {  	[sflag:s22] =	ssyncadd.s32 s4;
	_ =	sdelay $0x1  }
0xa1: {  	s23 =	simm.s32 $0x1B8B  }
0xa2: {  	_ =	swait.ge [sflag:s23], $0x1  }
0xa3: {  	[sflag:s23] =	ssyncset.done $0x0  }
0xa4: {  	s25 =	simm.s32 $0x1B8E;
	s24 =	sld [smem:$0x3FFE];
	[sflag:s23] =	ssyncadd.s32 $0xFFFFFFFF  }
0xa5: {  	s26 =	simm.s32 $execute0_lowered;
	[smem:$0x3FD2] =	sst s25  }
0xa6: {  	s5 =	sshll.u32 s26, $0x1;
	_ =	strace $0x80000046;
	[dreg:$0x1] =	wrdreg $0xFFFFFFFF  }
0xa7: {  	s28 =	simm.s32 $_size_execute0_lowered;
	s3 =	sadd.s32 s3, s5;
	[dreg:$0x0] =	wrdreg $0x0  }
0xa8: {  	s5 =	sshll.u32 s28, $0x1;
	[dreg:$0x2] =	wrdreg s3  }
0xa9: {  	[dreg:$0x3] =	wrdreg s5  }
0xaa: {  	[dreg:$0x4] =	wrdreg $0xC0  }
0xab: {  	_ =	task [dreg:s7], $0x5FFFF  }
0xac: {  	[dreg:$0x1] =	wrdreg $0xFFFFFFFF  }
0xad: {  	[dreg:$0x0] =	wrdreg $0x60  }
0xae: {  	[dreg:$0x2] =	wrdreg s24  }
0xaf: {  	[dreg:$0x3] =	wrdreg s2  }
0xb0: {  	[dreg:$0x4] =	wrdreg $0x9  }
0xb1: {  	_ =	task.clear_ibuf [dreg:s7], $0x5FFFF;
	_ =	strace $0x90000046  }
0xb2: {  	s29 =	simm.s32 $0x9;
	_ =	strace $0x80000048  }
0xb3: {  	_ =	swait.ge [sflag:s29], $0x1  }
0xb4: {  	[sflag:s29] =	ssyncadd.s32 $0xFFFFFFFF  }
0xb5: {  	_ =	strace $0x90000048  }
0xb6: {  	_ =	sfence  }
0xb7: {  	s30 =	sld [smem:$0x0];
	_ =	sdelay $0x2  }
0xb8: {  	s31 =	sshll.u32 s1, $0xD;
	s1 =	sshrl.u32 s1, $0x2  }
0xb9: {  	s3 =	sand.u32 $0x4000, s31;
	s1 =	sadd.s32 s1, s30  }
0xba: {  	s0 =	sor.u32 s3, s0;
	s1 =	sshll.u32 s1, $0x11  }
0xbb: {  	s0 =	sor.u32 s1, s0  }
0xbc: {  	s0 =	sadd.s32 $0x8F2B, s0  }
0xbd: {  	[sflag:s0] =	ssyncadd.remote.s32 $0x1  }
0xbe: {  	_ =	sfence.sel $0xFFFF  }
0xbf: {  	[dreg:$0x0] =	wrdreg $0xFFFFFFFF;
	(pc) =	sbr.abs _section_cstart, $3  }
0xc0: {  	[dreg:$0x1] =	wrdreg $0xFFFFFFFF  }
0xc1: {  	_ =	task.clear_ibuf [dreg:s7], $0x2FFFF;
	_ =	strace $0x9FFFFFFF  }
0xc2: {  	(tm) =	ssettm $0x7FFFFFFF  }
0xc3: {  	_ =	shalt  }
tec
execute0_lowered:
.L_overlay_start_1:
0x0: {  	(tag) =	ssettag $0x1  }
0x1: {  	v0 =	vimm.s32 $0xFEDCBA9;
	v1 =	vimm.s32 $0x87654321  }
0x2: {  	v7 =	vimm.s32 $0x210FEDCB;
	v8 =	vimm.s32 $0xA9876543;
	v9 =	vimm.s32 $0x43210FED  }
0x3: {  	v10 =	vimm.s32 $0xCBA98765;
	v20 =	vimm.s32 $0xFEDCBA98;
	v21 =	vimm.s32 $0x76543210  }
0x4: {  	vm0 =	vcmask $0x1F10;
	v27 =	vimm.s32 $0xF3E2D1C0;
	v29 =	vimm.s32 $0x7E6D5C4B  }
0x5: {  	v30 =	vimm.s32 $0xB3A29180;
	v31 =	vimm.s32 $0xF7E6D5C4;
	v32 =	vimm.s32 $0x3E2D1C0B  }
0x6: {  	v33 =	vimm.s32 $0x7261504F;
	v34 =	vimm.s32 $0xB7A69584;
	v35 =	vimm.s32 $0xFBEAD9C8  }
0x7: {  	v53 =	vimm.s32 $0xFCEBDAC9;
	v54 =	vimm.s32 $0x302F1E0D;
	v55 =	vimm.s32 $0x74635241  }
0x8: {  	v57 =	vimm.s32 $0xB9A89786;
	v58 =	vimm.s32 $0xFDECDBCA;
	v61 =	vimm.s32 $0xFEEDDCCB  }
0x9: {  	v2 =	vunpack.c.l.s4.s8 v0;
	v0 =	vlaneseq.u32;
	v3 =	vunpack.c.l.s4.s8 v1  }
0xa: {  	v7 =	vunpack.c.l.s4.s8 v7;
	v8 =	vunpack.c.l.s4.s8 v8;
	v9 =	vunpack.c.l.s4.s8 v9  }
0xb: {  	v10 =	vunpack.c.l.s4.s8 v10;
	v20 =	vunpack.c.l.s4.s8 v20;
	v27 =	vunpack.c.0.s8.s32 v27  }
0xc: {  	v29 =	vunpack.c.0.s8.s32 v29;
	v32 =	vunpack.c.0.s8.s32 v32;
	v33 =	vunpack.c.0.s8.s32 v33  }
0xd: {  	v51 =	vunpack.c.0.s8.s32 v35;
	v56 =	vunpack.c.0.s8.s32 v55;
	v59 =	vunpack.c.0.s8.s32 v58  }
0xe: {  	v1 =	vmul.u32 $0x2, v0;
	v5 =	vunpack.c.0.s8.s32 v2;
	v2 =	vimm.s32 $0x10FEDCBA  }
0xf: {  	v6 =	vunpack.c.0.s8.s32 v3;
	v7 =	vunpack.c.0.s8.s32 v7;
	v8 =	vunpack.c.0.s8.s32 v8  }
0x10: {  	v18 =	vunpack.c.0.s8.s32 v9;
	v19 =	vunpack.c.0.s8.s32 v10;
	v9 =	vimm.s32 $0x6543210F  }
0x11: {  	v10 =	vimm.s32 $0xEDCBA987;
	v3 =	vunpack.c.l.s4.s8 v2;
	v2 =	vimm.s32 $0x98765432  }
0x12: {  	v9 =	vunpack.c.l.s4.s8 v9;
	v10 =	vunpack.c.l.s4.s8 v10;
	v4 =	vunpack.c.l.s4.s8 v2  }
0x13: {  	v2 =	vor.u32 $0x1, v1;
	v11 =	vcombine.low v6, v5;
	v17 =	vcombine.low v8, v7  }
0x14: {  	v12 =	vunpack.c.0.s8.s32 v3;
	v3 =	vimm.s32 $0x3210FEDC;
	v13 =	vunpack.c.0.s8.s32 v4  }
0x15: {  	v26 =	vcombine.low v19, v18;
	v3 =	vunpack.c.l.s4.s8 v3;
	v4 =	vimm.s32 $0xBA987654  }
0x16: {  	v24 =	vunpack.c.0.s8.s32 v10;
	v4 =	vunpack.c.l.s4.s8 v4;
	v14 =	vcombine.low v13, v12  }
0x17: {  	v15 =	vunpack.c.0.s8.s32 v3;
	v3 =	vimm.s32 $0x543210FE;
	v12 =	vcombine.low v12, v13  }
0x18: {  	v13 =	vcombine.low v7, v8;
	v7 =	vimm.s32 $0xF0EFDECD;
	v8 =	vimm.s32 $0x34231201  }
0x19: {  	v16 =	vunpack.c.0.s8.s32 v4;
	v4 =	vimm.s32 $0xDCBA9876;
	v3 =	vunpack.c.l.s4.s8 v3  }
0x1a: {  	v7 =	vunpack.c.0.s8.s32 v7;
	v8 =	vunpack.c.0.s8.s32 v8;
	v4 =	vunpack.c.l.s4.s8 v4  }
0x1b: {  	v12 =	vand.u32 $0xF, v12;
	v22 =	vunpack.c.0.s8.s32 v3;
	v3 =	vunpack.c.l.s4.s8 v21  }
0x1c: {  	v13 =	vand.u32 $0xF, v13;
	v21 =	vunpack.c.0.s8.s32 v9;
	v25 =	vcombine.low v16, v15  }
0x1d: {  	v23 =	vunpack.c.0.s8.s32 v4;
	v4 =	vunpack.c.0.s8.s32 v20;
	v20 =	vunpack.c.0.s8.s32 v3  }
0x1e: {  	v10 =	vcombine.low v24, v21;
	v3 =	vand.u32 $0xF, v11;
	v11 =	vcombine.low v5, v6  }
0x1f: {  	v5 =	vand.u32 $0xF, v14;
	v14 =	vcombine.low v15, v16;
	v15 =	vcombine.low v18, v19  }
0x20: {  	v6 =	vimm.s32 $0xBCAB9A89;
	v18 =	vimm.s32 $0x78675645;
	v19 =	vimm.s32 $0xF1E0DFCE  }
0x21: {  	v9 =	vcombine.low v23, v22;
	v4 =	vand.u32 $0xF, v4;
	v16 =	vcombine.low v22, v23  }
0x22: {  	v6 =	vunpack.c.0.s8.s32 v6;
	v18 =	vunpack.c.0.s8.s32 v18;
	v22 =	vimm.s32 $0x36251403  }
0x23: {  	v4 =	vcombine.low v4, v20;
	v20 =	vunpack.c.0.s8.s32 v19;
	v22 =	vunpack.c.0.s8.s32 v22  }
0x24: {  	v10 =	vand.u32 $0xF, v10;
	v11 =	vand.u32 $0xF, v11;
	v14 =	vand.u32 $0xF, v14  }
0x25: {  	v7 =	vsel vm0, v7, v6;
	v6 =	vimm.s32 $0xBDAC9B8A;
	v8 =	vsel vm0, v18, v8  }
0x26: {  	v18 =	vunpack.c.0.s8.s32 v6;
	v19 =	vcombine.low v8, v7;
	v8 =	vimm.s32 $0x35241302  }
0x27: {  	v6 =	vand.u32 $0xF, v17;
	v17 =	vcombine.low v21, v24;
	v8 =	vunpack.c.0.s8.s32 v8  }
0x28: {  	v7 =	vsel vm0, v20, v18;
	v18 =	vimm.s32 $0x79685746;
	v20 =	vimm.s32 $0xBEAD9C8B  }
0x29: {  	v18 =	vunpack.c.0.s8.s32 v18;
	v21 =	vunpack.c.0.s8.s32 v20;
	v20 =	vimm.s32 $0xF2E1D0CF  }
0x2a: {  	v15 =	vand.u32 $0xF, v15;
	v23 =	vunpack.c.0.s8.s32 v20;
	v20 =	vimm.s32 $0x7A695847  }
0x2b: {  	v24 =	vunpack.c.0.s8.s32 v20;
	v20 =	vimm.s32 $0xBFAE9D8C;
	v8 =	vsel vm0, v18, v8  }
0x2c: {  	v18 =	vunpack.c.0.s8.s32 v20;
	v20 =	vcombine.low v8, v7;
	v7 =	vsel vm0, v23, v21  }
0x2d: {  	v23 =	vimm.s32 $0xF4E3D2C1;
	v8 =	vsel vm0, v24, v22;
	v22 =	vimm.s32 $0xB0AF9E8D  }
0x2e: {  	v23 =	vunpack.c.0.s8.s32 v23;
	v21 =	vcombine.low v8, v7;
	v8 =	vsel vm0, v27, v18  }
0x2f: {  	v7 =	vimm.s32 $0x37261504;
	v18 =	vimm.s32 $0x7B6A5948;
	v22 =	vunpack.c.0.s8.s32 v22  }
0x30: {  	v9 =	vand.u32 $0xF, v9;
	v7 =	vunpack.c.0.s8.s32 v7;
	v18 =	vunpack.c.0.s8.s32 v18  }
0x31: {  	v24 =	vimm.s32 $0x38271605;
	v27 =	vimm.s32 $0x7C6B5A49;
	v23 =	vsel vm0, v23, v22  }
0x32: {  	v22 =	vimm.s32 $0xB1A09F8E;
	v18 =	vsel vm0, v18, v7;
	v7 =	vunpack.c.0.s8.s32 v24  }
0x33: {  	v24 =	vunpack.c.0.s8.s32 v27;
	v27 =	vimm.s32 $0xF5E4D3C2;
	v28 =	vunpack.c.0.s8.s32 v22  }
0x34: {  	v27 =	vunpack.c.0.s8.s32 v27;
	v22 =	vcombine.low v18, v8;
	v18 =	vimm.s32 $0x39281706  }
0x35: {  	v24 =	vsel vm0, v24, v7;
	v7 =	vand.u32 $0xF, v25;
	v18 =	vunpack.c.0.s8.s32 v18  }
0x36: {  	v25 =	vimm.s32 $0xB2A1908F;
	v23 =	vcombine.low v24, v23;
	v24 =	vimm.s32 $0x7D6C5B4A  }
0x37: {  	v8 =	vsel vm0, v27, v28;
	v27 =	vimm.s32 $0xF6E5D4C3;
	v24 =	vunpack.c.0.s8.s32 v24  }
0x38: {  	v25 =	vunpack.c.0.s8.s32 v25;
	v28 =	vimm.s32 $0x3A291807;
	v27 =	vunpack.c.0.s8.s32 v27  }
0x39: {  	v28 =	vunpack.c.0.s8.s32 v28;
	v18 =	vsel vm0, v24, v18;
	v24 =	vunpack.c.0.s8.s32 v30  }
0x3a: {  	v30 =	vunpack.c.0.s8.s32 v31;
	v31 =	vcombine.low v18, v8;
	v8 =	vsel vm0, v27, v25  }
0x3b: {  	v18 =	vsel vm0, v29, v28;
	v27 =	vimm.s32 $0xB4A39281;
	v28 =	vimm.s32 $0xF8E7D6C5  }
0x3c: {  	v25 =	vcombine.low v18, v8;
	v18 =	vsel vm0, v30, v24;
	v8 =	vimm.s32 $0x3B2A1908  }
0x3d: {  	v24 =	vimm.s32 $0x7F6E5D4C;
	v27 =	vunpack.c.0.s8.s32 v27;
	v28 =	vunpack.c.0.s8.s32 v28  }
0x3e: {  	v29 =	vimm.s32 $0x3C2B1A09;
	v8 =	vunpack.c.0.s8.s32 v8;
	v24 =	vunpack.c.0.s8.s32 v24  }
0x3f: {  	v30 =	vimm.s32 $0x706F5E4D;
	v27 =	vsel vm0, v28, v27;
	v28 =	vimm.s32 $0xB5A49382  }
0x40: {  	v24 =	vsel vm0, v24, v8;
	v8 =	vunpack.c.0.s8.s32 v29;
	v29 =	vunpack.c.0.s8.s32 v30  }
0x41: {  	v16 =	vand.u32 $0xF, v16;
	v30 =	vimm.s32 $0xF9E8D7C6;
	v28 =	vunpack.c.0.s8.s32 v28  }
0x42: {  	v30 =	vunpack.c.0.s8.s32 v30;
	v29 =	vsel vm0, v29, v8;
	v8 =	vand.u32 $0xF, v26  }
0x43: {  	v26 =	vcombine.low v24, v18;
	v24 =	vimm.s32 $0x3D2C1B0A;
	v27 =	vcombine.low v29, v27  }
0x44: {  	v18 =	vsel vm0, v30, v28;
	v28 =	vimm.s32 $0x71605F4E;
	v24 =	vunpack.c.0.s8.s32 v24  }
0x45: {  	v29 =	vimm.s32 $0xB6A59483;
	v30 =	vimm.s32 $0xFAE9D8C7;
	v28 =	vunpack.c.0.s8.s32 v28  }
0x46: {  	v17 =	vand.u32 $0xF, v17;
	v29 =	vunpack.c.0.s8.s32 v29;
	v30 =	vunpack.c.0.s8.s32 v30  }
0x47: {  	v19 =	vand.u32 $0xFF, v19;
	v24 =	vsel vm0, v28, v24;
	v28 =	vunpack.c.0.s8.s32 v34  }
0x48: {  	v52 =	vcombine.low v24, v18;
	v18 =	vsel vm0, v30, v29;
	v24 =	vsel vm0, v33, v32  }
0x49: {  	v20 =	vand.u32 $0xFF, v20;
	v21 =	vand.u32 $0xFF, v21;
	v29 =	vcombine.low v24, v18  }
0x4a: {  	v18 =	vsel vm0, v51, v28;
	v24 =	vimm.s32 $0x3F2E1D0C;
	v28 =	vimm.s32 $0x73625140  }
0x4b: {  	v30 =	vimm.s32 $0xB8A79685;
	v24 =	vunpack.c.0.s8.s32 v24;
	v28 =	vunpack.c.0.s8.s32 v28  }
0x4c: {  	v22 =	vand.u32 $0xFF, v22;
	v32 =	vunpack.c.0.s8.s32 v53;
	v30 =	vunpack.c.0.s8.s32 v30  }
0x4d: {  	v23 =	vand.u32 $0xFF, v23;
	v24 =	vsel vm0, v28, v24;
	v28 =	vunpack.c.0.s8.s32 v54  }
0x4e: {  	v30 =	vsel vm0, v32, v30;
	v32 =	vunpack.c.0.s8.s32 v57;
	v60 =	vcombine.low v24, v18  }
0x4f: {  	s6 =	rddreg [dreg:$0x0];
	v18 =	vimm.s32 $0x31201F0E;
	v24 =	vimm.s32 $0x75645342;
	v28 =	vsel vm0, v56, v28  }
0x50: {  	s1 =	rddreg [dreg:$0x1];
	v18 =	vunpack.c.0.s8.s32 v18;
	v24 =	vunpack.c.0.s8.s32 v24;
	v36 =	vcombine.low v28, v30  }
0x51: {  	s0 =	rddreg [dreg:$0x2];
	s2 =	simm.s32 $0x0;
	v28 =	vsel vm0, v59, v32;
	v30 =	vimm.s32 $0xBAA99887;
	v32 =	vunpack.c.0.s8.s32 v61  }
0x52: {  	s3 =	srdreg.scid;
	s11 =	simm.s32 $0x8D80;
	s12 =	simm.s32 $0x8E00;
	v62 =	vsel vm0, v24, v18;
	v18 =	vimm.s32 $0x3221100F;
	v24 =	vimm.s32 $0x76655443  }
0x53: {  	s13 =	simm.s32 $0x1000;
	s14 =	simm.s32 $0x0;
	[smem:$0x7FF] =	sst s2;
	v30 =	vunpack.c.0.s8.s32 v30;
	v18 =	vunpack.c.0.s8.s32 v18;
	v24 =	vunpack.c.0.s8.s32 v24  }
0x54: {  	s7 =	sand.u32 $0x1, s3;
	s3 =	stileid.u32;
	s4 =	sadd.s32 $0x30D4C00, s6;
	v25 =	vand.u32 $0xFF, v25;
	v26 =	vand.u32 $0xFF, v26;
	v27 =	vand.u32 $0xFF, v27  }
0x55: {  	s5 =	sadd.s32 $0x800, s6;
	s6 =	sadd.s32 $0xA00, s6;
	s8 =	ssub.s32 $0x2, s7;
	v29 =	vand.u32 $0xFF, v29;
	v30 =	vsel vm0, v32, v30;
	v63 =	vsel vm0, v24, v18  }
0x56: {  	_ =	strace $0x80000047;
	s10 =	sshll.u32 s3, $0x1;
	s9 =	sshrl.u32 s8, $0x1;
	v33 =	vcombine.low v62, v28;
	v28 =	vand.u32 $0xFF, v52;
	v37 =	vcombine.low v63, v30  }
0x57: {  	s7 =	sor.u32 s7, s10;
	s10 =	simm.s32 $0x1;
	s8 =	ssub.s32 s8, s9;
	v18 =	vmul.u32 $0x11, v0;
	v24 =	vand.u32 $0xFF, v31;
	v31 =	vand.u32 $0xFF, v36  }
0x58: {  	s7 =	smul.u32 $0x186A0, s7;
	s9 =	simm.s32 $0x8D00;
	s8 =	smax.u32 s8, $0x1;
	v32 =	vand.u32 $0xFF, v33;
	v30 =	vand.u32 $0xFF, v60;
	v33 =	vand.u32 $0xFF, v37  }
.LBB2_1:
0x59: {  	[tilespmem:s9], [sflag:$0x1] =	stream.linear.gather [hbm4b:s5+s2], $0x80, $0x38;
	[tilespmem:$0x8E80] =	vst v63  }
0x5a: {  	_ =	swait.ge [sflag:s10], $0x80  }
0x5b: {  	[sflag:s10] =	ssyncset.done $0x0  }
0x5c: {  	[sflag:s10] =	ssyncadd.s32 $0xFFFFFF80  }
0x5d: {  	[tilespmem:s11], [sflag:$0x1] =	stream.linear.gather [hbm4b:s6+s2], $0x80, $0x38;
	[tilespmem:$0x8E80] =	vst v63  }
0x5e: {  	_ =	swait.ge [sflag:s10], $0x80  }
0x5f: {  	[sflag:s10] =	ssyncset.done $0x0  }
0x60: {  	[sflag:s10] =	ssyncadd.s32 $0xFFFFFF80  }
0x61: {  	v34 =	vld [tilespmem:$0x8D00]  }
0x62: {  	v35 =	vld [tilespmem:$0x8D80]  }
0x63: {  	v36 =	vld [tilespmem:$0x8D90]  }
0x64: {  	v37 =	vld [tilespmem:$0x8D10];
	_ =	sdelay $0x2  }
0x65: {  	v38 =	vadd.f32 v35, v34  }
0x66: {  	v34 =	vadd.f32 v36, v34  }
0x67: {  	v35 =	vadd.f32 v35, v37;
	[tilespmem:$0x8E00] =	vst v38  }
0x68: {  	v63 =	vadd.f32 v36, v37;
	[tilespmem:$0x8E10] =	vst v34  }
0x69: {  	[tilespmem:$0x8E20] =	vst v35  }
0x6a: {  	s15 =	simm.s32 $0x0;
	[tilespmem:$0x8E30] =	vst v63  }
.LBB2_2:
0x6b: {  	s16 =	smul.u32 $0x7D0, s15;
	_ =	sdelay $0x1  }
0x6c: {  	s16 =	sadd.s32 s7, s16  }
0x6d: {  	s17 =	simm.s32 $0x0;
	s18 =	sshrl.u32 s16, $0x2  }
0x6e: {  	v34 =	vor.u32 s17, v1;
	s18 =	sadd.s32 s4, s18  }
0x6f: {  	v35 =	vor.u32 s17, v2;
	[tilespmem:s17], [sflag:$0x1] =	stream.linear.gather [hbm4b:s18+s17], $0xFA0, $0x38;
	[tilespmem:$0x8E80] =	vst v63  }
0x70: {  	_ =	swait.ge [sflag:s10], $0xFA0  }
0x71: {  	[sflag:s10] =	ssyncset.done $0x0  }
0x72: {  	[sflag:s10] =	ssyncadd.s32 $0xFFFFF060  }
0x73: {  	v34 =	vld.idx.msk [tilespmem:v34+s2+$0x0], $0xffff  }
0x74: {  	v35 =	vld.idx.msk [tilespmem:v35+s2+$0x0], $0xffff;
	_ =	sdelay $0x4  }
0x75: {  	v34 =	vshll.u32 v34, $0x5;
	v35 =	vshll.u32 v35, $0x4  }
0x76: {  	v34 =	vadd.s32 v34, v35  }
0x77: {  	v35 =	vor.u32 v5, v34  }
0x78: {  	v36 =	vor.u32 v8, v34  }
0x79: {  	v37 =	vor.u32 v7, v34  }
0x7a: {  	v39 =	vor.u32 v13, v34  }
0x7b: {  	v41 =	vor.u32 v9, v34  }
0x7c: {  	v60 =	vor.u32 v17, v34;
	v48 =	vld.idx.msk [tilespmem:v35+s12+$0x0], $0xffff  }
0x7d: {  	v42 =	vor.u32 v6, v34;
	v38 =	vld.idx.msk [tilespmem:v36+s12+$0x0], $0xffff  }
0x7e: {  	v43 =	vor.u32 v10, v34;
	v40 =	vld.idx.msk [tilespmem:v37+s12+$0x0], $0xffff  }
0x7f: {  	v61 =	vor.u32 v15, v34;
	v36 =	vld.idx.msk [tilespmem:v39+s12+$0x0], $0xffff  }
0x80: {  	v44 =	vor.u32 v3, v34;
	v39 =	vld.idx.msk [tilespmem:v41+s12+$0x0], $0xffff  }
0x81: {  	v62 =	vor.u32 v0, v34;
	v35 =	vld.idx.msk [tilespmem:v60+s12+$0x0], $0xffff  }
0x82: {  	v45 =	vor.u32 v4, v34;
	v49 =	vld.idx.msk [tilespmem:v42+s12+$0x0], $0xffff  }
0x83: {  	v63 =	vor.u32 v14, v34;
	v43 =	vld.idx.msk [tilespmem:v43+s12+$0x0], $0xffff  }
0x84: {  	v46 =	vor.u32 v16, v34;
	v37 =	vld.idx.msk [tilespmem:v61+s12+$0x0], $0xffff  }
0x85: {  	v47 =	vor.u32 v11, v34;
	v50 =	vld.idx.msk [tilespmem:v44+s12+$0x0], $0xffff  }
0x86: {  	v52 =	vor.u32 s17, v18;
	v34 =	vor.u32 v12, v34;
	v51 =	vld.idx.msk [tilespmem:v62+s12+$0x0], $0xffff  }
0x87: {  	v53 =	vor.u32 s17, v19;
	v44 =	vld.idx.msk [tilespmem:v45+s12+$0x0], $0xffff  }
0x88: {  	v42 =	vld.idx.msk [tilespmem:v63+s12+$0x0], $0xffff  }
0x89: {  	v54 =	vor.u32 s17, v20;
	v41 =	vld.idx.msk [tilespmem:v46+s12+$0x0], $0xffff  }
0x8a: {  	v55 =	vor.u32 s17, v21;
	v46 =	vld.idx.msk [tilespmem:v47+s12+$0x0], $0xffff  }
0x8b: {  	v45 =	vld.idx.msk [tilespmem:v34+s12+$0x0], $0xffff;
	[tilespmem:v52+s13+$0x0] =	vst.idx.msk $0xffff, v51;
	v52 =	vor.u32 s17, v22  }
0x8c: {  	[tilespmem:v53+s13+$0x0] =	vst.idx.msk $0xffff, v50;
	v50 =	vor.u32 s17, v23  }
0x8d: {  	v47 =	vor.u32 s17, v24  }
0x8e: {  	v51 =	vor.u32 s17, v25;
	[tilespmem:v54+s13+$0x0] =	vst.idx.msk $0xffff, v48  }
0x8f: {  	s19 =	simm.s32 $0x100;
	s18 =	simm.s32 $0x20;
	v34 =	vor.u32 s17, v28;
	v48 =	vor.u32 s17, v26;
	[tilespmem:v55+s13+$0x0] =	vst.idx.msk $0xffff, v49;
	v49 =	vor.u32 s17, v27  }
.LBB2_3:
0x90: {  	v53 =	vor.u32 s19, v28;
	p0 =	sne.s32 s18, $0xF80;
	[tilespmem:v52+s13+$0x0] =	vst.idx.msk $0xffff, v40;
	s20 =	smov.u32 s18;
	s18 =	sadd.s32 $0x20, s18  }
0x91: {  	[tilespmem:v50+s13+$0x0] =	vst.idx.msk $0xffff, v38;
	v38 =	vor.u32 s17, v29  }
0x92: {  	[tilespmem:v47+s13+$0x0] =	vst.idx.msk $0xffff, v39;
	v39 =	vor.u32 s17, v30  }
0x93: {  	v40 =	vor.u32 s17, v31;
	[tilespmem:v51+s13+$0x0] =	vst.idx.msk $0xffff, v43  }
0x94: {  	v43 =	vor.u32 s17, v32;
	[tilespmem:v48+s13+$0x0] =	vst.idx.msk $0xffff, v44  }
0x95: {  	v44 =	vor.u32 s17, v33;
	s17 =	smov.u32 s19;
	[tilespmem:v49+s13+$0x0] =	vst.idx.msk $0xffff, v46  }
0x96: {  	[tilespmem:v34+s13+$0x0] =	vst.idx.msk $0xffff, v45;
	v34 =	vmov v53  }
0x97: {  	v46 =	vor.u32 s20, v2;
	v45 =	vor.u32 s20, v1;
	[tilespmem:v38+s13+$0x0] =	vst.idx.msk $0xffff, v36  }
0x98: {  	[tilespmem:v39+s13+$0x0] =	vst.idx.msk $0xffff, v42  }
0x99: {  	[tilespmem:v40+s13+$0x0] =	vst.idx.msk $0xffff, v37  }
0x9a: {  	[tilespmem:v43+s13+$0x0] =	vst.idx.msk $0xffff, v41  }
0x9b: {  	[tilespmem:v44+s13+$0x0] =	vst.idx.msk $0xffff, v35  }
0x9c: {  	v35 =	vld.idx.msk [tilespmem:v45+s2+$0x0], $0xffff  }
0x9d: {  	v36 =	vld.idx.msk [tilespmem:v46+s2+$0x0], $0xffff;
	_ =	sdelay $0x4  }
0x9e: {  	v35 =	vshll.u32 v35, $0x5  }
0x9f: {  	v36 =	vshll.u32 v36, $0x4  }
0xa0: {  	v35 =	vadd.s32 v35, v36  }
0xa1: {  	v41 =	vor.u32 v0, v35;
	v42 =	vor.u32 v3, v35;
	v36 =	vor.u32 v5, v35  }
0xa2: {  	v37 =	vor.u32 v6, v35;
	v39 =	vor.u32 v7, v35;
	v38 =	vor.u32 v8, v35  }
0xa3: {  	v43 =	vor.u32 v9, v35;
	v44 =	vor.u32 v10, v35;
	v45 =	vor.u32 v4, v35  }
0xa4: {  	v46 =	vor.u32 v11, v35;
	v47 =	vor.u32 v12, v35;
	v48 =	vor.u32 v13, v35  }
0xa5: {  	v49 =	vor.u32 v14, v35;
	v50 =	vor.u32 v15, v35;
	v51 =	vor.u32 v16, v35  }
0xa6: {  	v35 =	vor.u32 v17, v35;
	v53 =	vld.idx.msk [tilespmem:v36+s12+$0x0], $0xffff  }
0xa7: {  	v38 =	vld.idx.msk [tilespmem:v38+s12+$0x0], $0xffff  }
0xa8: {  	v40 =	vld.idx.msk [tilespmem:v39+s12+$0x0], $0xffff  }
0xa9: {  	v36 =	vld.idx.msk [tilespmem:v48+s12+$0x0], $0xffff  }
0xaa: {  	v39 =	vld.idx.msk [tilespmem:v43+s12+$0x0], $0xffff  }
0xab: {  	v35 =	vld.idx.msk [tilespmem:v35+s12+$0x0], $0xffff  }
0xac: {  	v54 =	vld.idx.msk [tilespmem:v37+s12+$0x0], $0xffff  }
0xad: {  	v43 =	vld.idx.msk [tilespmem:v44+s12+$0x0], $0xffff  }
0xae: {  	v37 =	vld.idx.msk [tilespmem:v50+s12+$0x0], $0xffff  }
0xaf: {  	v48 =	vld.idx.msk [tilespmem:v42+s12+$0x0], $0xffff  }
0xb0: {  	v56 =	vor.u32 s19, v18;
	v55 =	vld.idx.msk [tilespmem:v41+s12+$0x0], $0xffff  }
0xb1: {  	v57 =	vor.u32 s19, v19;
	v44 =	vld.idx.msk [tilespmem:v45+s12+$0x0], $0xffff  }
0xb2: {  	v42 =	vld.idx.msk [tilespmem:v49+s12+$0x0], $0xffff;
	v49 =	vor.u32 s19, v20  }
0xb3: {  	v58 =	vor.u32 s19, v21;
	v41 =	vld.idx.msk [tilespmem:v51+s12+$0x0], $0xffff  }
0xb4: {  	v52 =	vor.u32 s19, v22;
	v46 =	vld.idx.msk [tilespmem:v46+s12+$0x0], $0xffff  }
.Ltmp0:
0xb5: {  	v50 =	vor.u32 s19, v23;
	v45 =	vld.idx.msk [tilespmem:v47+s12+$0x0], $0xffff;
	(pc) =	sbr.rel @p0 .LBB2_3-.Ltmp0, $4  }
0xb6: {  	v47 =	vor.u32 s19, v24;
	[tilespmem:v56+s13+$0x0] =	vst.idx.msk $0xffff, v55  }
0xb7: {  	v51 =	vor.u32 s19, v25;
	[tilespmem:v57+s13+$0x0] =	vst.idx.msk $0xffff, v48  }
0xb8: {  	v48 =	vor.u32 s19, v26;
	[tilespmem:v49+s13+$0x0] =	vst.idx.msk $0xffff, v53  }
0xb9: {  	s19 =	sadd.s32 $0x100, s19;
	v49 =	vor.u32 s17, v27;
	[tilespmem:v58+s13+$0x0] =	vst.idx.msk $0xffff, v54  }
0xba: {  	_ =	sdelay $0x3  }
0xbb: {  	[tilespmem:v52+s13+$0x0] =	vst.idx.msk $0xffff, v40  }
0xbc: {  	[tilespmem:v50+s13+$0x0] =	vst.idx.msk $0xffff, v38  }
0xbd: {  	v59 =	vor.u32 s17, v29;
	[tilespmem:v47+s13+$0x0] =	vst.idx.msk $0xffff, v39  }
0xbe: {  	v60 =	vor.u32 s17, v30;
	[tilespmem:v51+s13+$0x0] =	vst.idx.msk $0xffff, v43  }
0xbf: {  	v61 =	vor.u32 s17, v31;
	[tilespmem:v48+s13+$0x0] =	vst.idx.msk $0xffff, v44  }
0xc0: {  	v62 =	vor.u32 s17, v32;
	[tilespmem:v49+s13+$0x0] =	vst.idx.msk $0xffff, v46  }
0xc1: {  	v63 =	vor.u32 s17, v33;
	[tilespmem:v34+s13+$0x0] =	vst.idx.msk $0xffff, v45  }
0xc2: {  	[tilespmem:v59+s13+$0x0] =	vst.idx.msk $0xffff, v36  }
0xc3: {  	[tilespmem:v60+s13+$0x0] =	vst.idx.msk $0xffff, v42  }
0xc4: {  	s15 =	sadd.s32 $0x1, s15;
	[tilespmem:v61+s13+$0x0] =	vst.idx.msk $0xffff, v37  }
0xc5: {  	s16 =	sshll.u32 s16, $0x1;
	p0 =	sne.s32 s15, $0x32;
	[tilespmem:v62+s13+$0x0] =	vst.idx.msk $0xffff, v41  }
.Ltmp1:
0xc6: {  	s16 =	sadd.s32 s1, s16;
	[tilespmem:v63+s13+$0x0] =	vst.idx.msk $0xffff, v35;
	(pc) =	sbr.rel @p0 .LBB2_2-.Ltmp1, $4  }
0xc7: {  	[hbm4b:s16+s2] =	stream.linear.scatter [tilespmem:s13], [sflag:$0x1], $0x7D00, $0x38;
	[tilespmem:$0x8E80] =	vst v63  }
0xc8: {  	_ =	swait.ge [sflag:s10], $0x7D00  }
0xc9: {  	[sflag:s10] =	ssyncset.done $0x0  }
0xca: {  	[sflag:s10] =	ssyncadd.s32 $0xFFFF8300  }
0xcb: {  	s14 =	sadd.s32 $0x1, s14  }
0xcc: {  	p0 =	sne.s32 s14, s8  }
.Ltmp2:
0xcd: {  	_ = 	snop;
	(pc) =	sbr.rel @p0 .LBB2_1-.Ltmp2, $1  }
0xce: {  	_ =	sdelay $0x3  }
0xcf: {  	_ =	sfence.sel $0x180000  }
0xd0: {  	[bflag:$0x0] =	sbarrier.arrive $0xFFFF  }
0xd1: {  	p0 =	sne.s32 s3, $0x0;
	_ =	strace $0x90000047  }
0xd2: {  	s0 =	sadd.s32 @!p0 $0x100000, s0;
	[bflag:$0x2] =	sbarrier.arrive $0xFFFF  }
0xd3: {  	[sflag:s0] =	ssyncadd.tile.s32 @!p0 $0x1;
	_ =	shalt  }
.Lfunc_end2:
_tile_overlayer_lowered:
.L_overlay_start_2:
0xd4: {  	(tag) =	ssettag $0x2  }
0xd5: {  	s0 =	rddreg [dreg:$0x0];
	s2 =	stileid.u32  }
0xd6: {  	s1 =	rddreg [dreg:$0x1];
	p0 =	sne.s32 s2, $0x0  }
0xd7: {  	s3 =	rddreg [dreg:$0x2];
	[bflag:$0x3] =	sbarrier.arrive $0xFFFF;
	s2 =	simm.s32 @!p0 $0x1C01  }
0xd8: {  	[timem:s3], [sflag:s2] =	dma.local @!p0 [hbm:s0], s1  }
0xd9: {  	s0 =	simm.s32 @!p0 $0x1  }
0xda: {  	_ =	swait.ge @!p0 [sflag:s0], s1  }
0xdb: {  	s1 =	ssub.s32 @!p0 $0x0, s1;
	[sflag:s0] =	ssyncset.done @!p0 $0x0  }
0xdc: {  	[sflag:s0] =	ssyncadd.s32 @!p0 s1  }
0xdd: {  	[bflag:$0x3] =	sbarrier.arrive $0xFFFF  }
0xde: {  	_ =	shalt  }

// kernel: sparse-core-data-format-call.cloned.1.call-start
scs
called_computation_lowered:
.L_overlay_start_0:
0x0: {  	s2 =	sld [smem:$0x3FD9]  }
0x1: {  	s3 =	sld [smem:$0x3FFE];
	_ =	sdelay $0x1  }
0x2: {  	s1 =	srdreg.scid  }
0x3: {  	s0 =	sand.u32 $0x1, s1  }
0x4: {  	s18 =	sshll.u32 s0, $0xA;
	s2 =	sadd.s32 s3, s2  }
0x5: {  	s2 =	sadd.s32 s2, s18  }
0x6: {  	[smem:$0x3FC5] =	sst s2  }
0x7: {  	_ = 	snop  }
0x8: {  	s2 =	sld [smem:$0x3FD0];
	(tm) =	ssettm $0x1  }
0x9: {  	s19 =	sld [smem:$0x3FFB];
	_ =	sdelay $0x3  }
0xa: {  	_ =	strace s19  }
0xb: {  	s3 =	sld [smem:$0x3FFC];
	_ =	sdelay $0x3  }
0xc: {  	_ =	strace s3  }
0xd: {  	s3 =	sld [smem:$0x3FFD];
	_ =	sdelay $0x3  }
0xe: {  	_ =	strace s3  }
0xf: {  	_ =	strace $0x8FFFFFFF  }
0x10: {  	s20 =	sld [smem:$0x3FDB];
	_ =	sdelay $0x1  }
0x11: {  	s4 =	simm.s32 $_scs_section_size  }
0x12: {  	s5 =	simm.s32 $_size__tile_overlayer_lowered;
	s6 =	simm.s32 $_tile_overlayer_lowered  }
0x13: {  	s23 =	simm.s32 $0x1BFF;
	s22 =	sshll.u32 s6, $0x1;
	s3 =	sadd.s32 s4, s20  }
0x14: {  	s7 =	simm.s32 $0x0;
	s21 =	sshll.u32 s5, $0x1;
	s5 =	sadd.s32 s22, s3  }
0x15: {  	[timem:s7], [sflag:s23] =	dma.local [hbm:s5], s21  }
0x16: {  	_ =	swait.ge [sflag:s23], s21  }
0x17: {  	s4 =	ssub.s32 $0x0, s21;
	[sflag:s23] =	ssyncset.done $0x0  }
0x18: {  	[sflag:s23] =	ssyncadd.s32 s4;
	_ =	sdelay $0x1  }
0x19: {  	s24 =	simm.s32 $0x1B8B  }
0x1a: {  	_ =	swait.ge [sflag:s24], $0x1  }
0x1b: {  	[sflag:s24] =	ssyncset.done $0x0  }
0x1c: {  	s26 =	simm.s32 $0x1B8E;
	s25 =	sld [smem:$0x3FFE];
	[sflag:s24] =	ssyncadd.s32 $0xFFFFFFFF  }
0x1d: {  	s27 =	simm.s32 $execute0_lowered;
	[smem:$0x3FD2] =	sst s26  }
0x1e: {  	s5 =	sshll.u32 s27, $0x1;
	_ =	strace $0x80000049;
	[dreg:$0x1] =	wrdreg $0xFFFFFFFF  }
0x1f: {  	s28 =	simm.s32 $_size_execute0_lowered;
	s3 =	sadd.s32 s3, s5;
	[dreg:$0x0] =	wrdreg $0x0  }
0x20: {  	s5 =	sshll.u32 s28, $0x1;
	[dreg:$0x2] =	wrdreg s3  }
0x21: {  	[dreg:$0x3] =	wrdreg s5  }
0x22: {  	[dreg:$0x4] =	wrdreg $0xC0  }
0x23: {  	_ =	task [dreg:s7], $0x5FFFF  }
0x24: {  	[dreg:$0x1] =	wrdreg $0xFFFFFFFF  }
0x25: {  	[dreg:$0x0] =	wrdreg $0x60  }
0x26: {  	[dreg:$0x2] =	wrdreg s25  }
0x27: {  	[dreg:$0x3] =	wrdreg s2  }
0x28: {  	[dreg:$0x4] =	wrdreg $0x9  }
0x29: {  	_ =	task.clear_ibuf [dreg:s7], $0x5FFFF;
	_ =	strace $0x90000049  }
0x2a: {  	s29 =	simm.s32 $0x9;
	_ =	strace $0x8000004B  }
0x2b: {  	_ =	swait.ge [sflag:s29], $0x1  }
0x2c: {  	[sflag:s29] =	ssyncadd.s32 $0xFFFFFFFF  }
0x2d: {  	_ =	strace $0x9000004B  }
0x2e: {  	_ =	sfence  }
0x2f: {  	s30 =	sld [smem:$0x0];
	_ =	sdelay $0x2  }
0x30: {  	s31 =	sshll.u32 s1, $0xD;
	s1 =	sshrl.u32 s1, $0x2  }
0x31: {  	s3 =	sand.u32 $0x4000, s31;
	s1 =	sadd.s32 s1, s30  }
0x32: {  	s0 =	sor.u32 s3, s0;
	s1 =	sshll.u32 s1, $0x11  }
0x33: {  	s0 =	sor.u32 s1, s0  }
0x34: {  	s0 =	sadd.s32 $0x8F2B, s0  }
0x35: {  	[sflag:s0] =	ssyncadd.remote.s32 $0x1  }
0x36: {  	_ =	sfence.sel $0xFFFF  }
0x37: {  	[dreg:$0x0] =	wrdreg $0xFFFFFFFF;
	(pc) =	sbr.abs _section_cstart, $3  }
0x38: {  	[dreg:$0x1] =	wrdreg $0xFFFFFFFF  }
0x39: {  	_ =	task.clear_ibuf [dreg:s7], $0x2FFFF;
	_ =	strace $0x9FFFFFFF  }
0x3a: {  	(tm) =	ssettm $0x7FFFFFFF  }
0x3b: {  	_ =	shalt  }
tec
execute0_lowered:
.L_overlay_start_1:
0x0: {  	(tag) =	ssettag $0x1  }
0x1: {  	s0 =	srdreg.scid  }
0x2: {  	s1 =	sshll.u32 s0, $0x4  }
0x3: {  	s4 =	rddreg [dreg:$0x0];
	s0 =	stileid.u32;
	s1 =	sand.u32 $0x10, s1  }
0x4: {  	s2 =	rddreg [dreg:$0x1];
	s7 =	simm.s32 $0x1;
	s1 =	sor.u32 s0, s1  }
0x5: {  	s8 =	simm.s32 $0x2;
	s11 =	simm.s32 $0x0;
	s3 =	sshll.u32 s1, $0x7  }
0x6: {  	s10 =	simm.s32 $0x0;
	s4 =	sadd.s32 $0x800, s4;
	s6 =	ssub.s32 $0x30D400, s3  }
.Ltmp0:
0x7: {  	s1 =	rddreg [dreg:$0x2];
	s5 =	sand.u32 $0xF80, s6;
	(pc) =	sbr.rel .LBB1_1-.Ltmp0, $4  }
0x8: {  	_ =	strace $0x8000004A;
	s9 =	smov.u32 s3;
	p0 =	sne.s32 s5, $0x0  }
0x9: {  	s6 =	sshrl.u32 s6, $0xC;
	s5 =	simm.s32 $0x1;
	s7 =	simm.s32 @!p0 $0x0  }
0xa: {  	[sflag:s5] =	ssyncpa.u1 $0x0;
	p0 =	por $0x0, $0x0;
	s6 =	sadd.s32 s7, s6  }
0xb: {  	[sflag:s8] =	ssyncpa.u1 $0x0;
	s8 =	simm.s32 $0x186A000;
	s7 =	sadd.s32 $0x1, s6  }
.LBB1_4:
0xc: {  	s14 =	sshll.u32 s11, $0x3  }
0xd: {  	s15 =	sshrl.u32 s14, $0xA  }
0xe: {  	s15 =	smulhi.u32 $0x53E2D7, s15;
	_ =	sdelay $0x1  }
0xf: {  	s15 =	sshrl.u32 s15, $0x2  }
0x10: {  	s28 =	sand.u32 $0x7F, s11;
	s14 =	sand.u32 $0xFFFFFC00, s14;
	s16 =	smul.u32 $0x30D400, s15  }
0x11: {  	[tilespmem:s12+$0xFFFFFFFC ss:$0x81] =	vst.msk $0xffff, v1;
	s11 =	sor.u32 s28, s14;
	s29 =	sand.u32 $0xF, s15  }
0x12: {  	[tilespmem:s12+$0xFFFFFFFD ss:$0x81] =	vst.msk $0xffff, v2;
	s14 =	smul.u32 $0x61A80, s29;
	s11 =	ssub.s32 s11, s16  }
0x13: {  	[tilespmem:s12+$0xFFFFFFFE ss:$0x81] =	vst.msk $0xffff, v0;
	s30 =	sand.u32 $0x7, s11  }
0x14: {  	[tilespmem:s12+$0xFFFFFFFF ss:$0x81] =	vst.msk $0xffff, v4;
	s11 =	sshrl.u32 s11, $0x3;
	s14 =	sadd.s32 s2, s14;
	s15 =	sshll.u32 s30, $0x12  }
0x15: {  	[tilespmem:s12+$0xFFFFFFF9 ss:$0x81] =	vst.msk $0xffff, v3;
	s11 =	sadd.s32 s11, s14;
	s31 =	sor.u32 $0x400, s15  }
0x16: {  	[hbm4b:s11+s31] =	stream.strided.scatter [tilespmem:s13], [sflag:$0x2], $0x800, s8, s31, $0x20;
	[tilespmem:$0x2020] =	vst v63  }
.LBB1_5:
0x17: {  	s13 =	sadd.s32 $0x1000, s9  }
0x18: {  	p2 =	sgt.s32 s13, $0x30D3FF  }
0x19: {  	s13 =	smov.u32 @p2 s3;
	p2 =	sne.s32 s10, s7  }
.Ltmp1:
0x1a: {  	p1 =	slt.u32 s10, $0x2;
	(pc) =	sbr.rel @!p2 .LBB1_6-.Ltmp1, $4  }
0x1b: {  	s12 =	simm.s32 @!p1 $0x2  }
0x1c: {  	s14 =	sadd.s32 $0x1, s10;
	_ =	swait.ge @!p1 [sflag:s12], $0x800  }
0x1d: {  	s11 =	smov.u32 s9;
	p0 =	por !p0, !p0;
	[sflag:s12] =	ssyncset.done @!p1 $0x0  }
0x1e: {  	s10 =	smov.u32 s14;
	s9 =	smov.u32 s13;
	[sflag:s12] =	ssyncadd.s32 @!p1 $0xFFFFF800  }
.LBB1_1:
0x1f: {  	p1 =	sge.u32 s10, s6  }
0x20: {  	s12 =	sand.u32 @!p1 $0x1FFFFFF, s9  }
0x21: {  	s13 =	smulhi.u32 @!p1 $0x14F8B59, s12;
	_ =	sdelay $0x1  }
0x22: {  	s13 =	sshrl.u32 @!p1 s13, $0xE  }
0x23: {  	s13 =	smul.u32 @!p1 $0x30D400, s13;
	_ =	sdelay $0x1  }
0x24: {  	s31 =	sadd.s32 $0xFFFFFFFF, s10;
	s14 =	sxor.u32 @!p1 $0xFFFFFFFF, s10;
	s12 =	ssub.s32 @!p1 s12, s13  }
0x25: {  	s15 =	simm.s32 @!p1 $0x80;
	s14 =	sshll.u32 @!p1 s14, $0xB;
	s12 =	sshll.u32 @!p1 s12, $0x4  }
0x26: {  	s13 =	sand.u32 @!p1 $0x800, s14;
	s14 =	simm.s32 @!p1 $0x10;
	s12 =	sadd.s32 @!p1 s4, s12  }
0x27: {  	[tilespmem:s13], [sflag:$0x1] =	stream.strided.gather @!p1 [hbm4b:s12+s14], $0x800, s15, s14, $0x38;
	[tilespmem:$0x2020] =	vst v63  }
0x28: {  	p1 =	sge.u32 s31, s6  }
.Ltmp2:
0x29: {  	_ = 	snop;
	(pc) =	sbr.rel @p1 .LBB1_5-.Ltmp2, $1  }
0x2a: {  	_ =	sdelay $0x3  }
0x2b: {  	s12 =	simm.s32 $0x1  }
0x2c: {  	_ =	swait.ge [sflag:s5], $0x800;
	s12 =	simm.s32 @!p0 $0x0  }
0x2d: {  	[sflag:s5] =	ssyncset.done $0x0;
	s13 =	sshll.u32 s12, $0xB  }
0x2e: {  	[sflag:s5] =	ssyncadd.s32 $0xFFFFF800;
	s15 =	sor.u32 $0x40, s13  }
0x2f: {  	v3 =	vld [tilespmem:s15+$0x30]  }
0x30: {  	s12 =	smul.u32 $0x2040, s12;
	v4 =	vld [tilespmem:s15+$0xFFFFFFD0]  }
0x31: {  	v5 =	vld [tilespmem:s15+$0xFFFFFFE0]  }
0x32: {  	s31 =	sand.u32 $0x1, s10;
	s12 =	sshrl.u32 s12, $0x2;
	v1 =	vld [tilespmem:s15+$0xFFFFFFF0]  }
0x33: {  	s13 =	smul.u32 $0x2040, s31;
	v2 =	vld [tilespmem:s15+$0x0];
	s12 =	sor.u32 $0x1007, s12  }
0x34: {  	v0 =	vld [tilespmem:s15+$0x10];
	[tilespmem:s12+$0x0 ss:$0x81] =	vst.msk $0xffff, v3  }
0x35: {  	s13 =	sshrl.u32 s13, $0x2;
	[tilespmem:s12+$0xFFFFFFFA ss:$0x81] =	vst.msk $0xffff, v4;
	v4 =	vld [tilespmem:s15+$0x20]  }
0x36: {  	s14 =	simm.s32 $0x0;
	s13 =	sor.u32 $0x1000, s13;
	v3 =	vld [tilespmem:s15+$0xFFFFFFC0];
	[tilespmem:s12+$0xFFFFFFFB ss:$0x81] =	vst.msk $0xffff, v5;
	s15 =	sadd.s32 $0x80, s15  }
.LBB1_3:
0x37: {  	v5 =	vld [tilespmem:s15+$0x30];
	s14 =	sadd.s32 $0x8, s14;
	[tilespmem:s12+$0xFFFFFFFC ss:$0x81] =	vst.msk $0xffff, v1  }
0x38: {  	v6 =	vld [tilespmem:s15+$0xFFFFFFD0];
	p1 =	slt.u32 s14, $0x78;
	[tilespmem:s12+$0xFFFFFFFD ss:$0x81] =	vst.msk $0xffff, v2  }
0x39: {  	v7 =	vld [tilespmem:s15+$0xFFFFFFE0];
	[tilespmem:s12+$0xFFFFFFFE ss:$0x81] =	vst.msk $0xffff, v0  }
.Ltmp3:
0x3a: {  	v1 =	vld [tilespmem:s15+$0xFFFFFFF0];
	[tilespmem:s12+$0xFFFFFFFF ss:$0x81] =	vst.msk $0xffff, v4;
	(pc) =	sbr.rel @p1 .LBB1_3-.Ltmp3, $4  }
0x3b: {  	v2 =	vld [tilespmem:s15+$0x0];
	[tilespmem:s12+$0xFFFFFFF9 ss:$0x81] =	vst.msk $0xffff, v3;
	s12 =	sadd.s32 $0x8, s12  }
0x3c: {  	v0 =	vld [tilespmem:s15+$0x10];
	[tilespmem:s12+$0x0 ss:$0x81] =	vst.msk $0xffff, v5  }
0x3d: {  	[tilespmem:s12+$0xFFFFFFFA ss:$0x81] =	vst.msk $0xffff, v6;
	v4 =	vld [tilespmem:s15+$0x20]  }
0x3e: {  	v3 =	vld [tilespmem:s15+$0xFFFFFFC0];
	[tilespmem:s12+$0xFFFFFFFB ss:$0x81] =	vst.msk $0xffff, v7;
	s15 =	sadd.s32 $0x80, s15  }
.Ltmp4:
0x3f: {  	_ = 	snop;
	(pc) =	sbr.rel .LBB1_4-.Ltmp4, $1  }
0x40: {  	_ =	sdelay $0x3  }
.LBB1_6:
0x41: {  	_ =	sfence.sel $0x180000  }
0x42: {  	s2 =	simm.s32 $0x1;
	[bflag:$0x0] =	sbarrier.arrive $0xFFFF  }
0x43: {  	s31 =	simm.s32 $0x2;
	[sflag:s2] =	ssyncpa.u1 $0x1  }
0x44: {  	[sflag:s31] =	ssyncpa.u1 $0x1  }
0x45: {  	p0 =	sne.s32 s0, $0x0;
	_ =	strace $0x9000004A  }
0x46: {  	s0 =	sadd.s32 @!p0 $0x100000, s1;
	[bflag:$0x2] =	sbarrier.arrive $0xFFFF  }
0x47: {  	[sflag:s0] =	ssyncadd.tile.s32 @!p0 $0x1;
	_ =	shalt  }
.Lfunc_end1:
_tile_overlayer_lowered:
.L_overlay_start_2:
0x48: {  	(tag) =	ssettag $0x2  }
0x49: {  	s0 =	rddreg [dreg:$0x0];
	s2 =	stileid.u32  }
0x4a: {  	s1 =	rddreg [dreg:$0x1];
	p0 =	sne.s32 s2, $0x0  }
0x4b: {  	s3 =	rddreg [dreg:$0x2];
	[bflag:$0x3] =	sbarrier.arrive $0xFFFF;
	s2 =	simm.s32 @!p0 $0x1C01  }
0x4c: {  	[timem:s3], [sflag:s2] =	dma.local @!p0 [hbm:s0], s1  }
0x4d: {  	s0 =	simm.s32 @!p0 $0x1  }
0x4e: {  	_ =	swait.ge @!p0 [sflag:s0], s1  }
0x4f: {  	s1 =	ssub.s32 @!p0 $0x0, s1;
	[sflag:s0] =	ssyncset.done @!p0 $0x0  }
0x50: {  	[sflag:s0] =	ssyncadd.s32 @!p0 s1  }
0x51: {  	[bflag:$0x3] =	sbarrier.arrive $0xFFFF  }
0x52: {  	_ =	shalt  }

</sc_bundles>
